<compile_context>
chip_gen: v7x
topology: tpu7x:2x2x1
jax: 0.10.2.dev20260603
libtpu: 0.0.44.dev20260713+nightly
codegen_flags: <defaults>
</compile_context>

<pallas_src>
import functools

import numpy as np
import jax
import jax.numpy as jnp
from jax import lax
from jax.experimental import pallas as pl
from jax.experimental.pallas import tpu as pltpu
from jax.experimental.pallas import tpu_sc as plsc

N, L, D = 64, 577, 768
KEEP = 288
OUT_L = KEEP + 1
ROWS = N * OUT_L
NW = 32
PER_W = 584
STRIDE = 578
CHUNK = 40
NFULL = 14
CHUNK_SIZES = [CHUNK] * NFULL + [PER_W - NFULL * CHUNK]
CHUNK_OFFS = [i * CHUNK for i in range(NFULL + 1)]
NCHUNK = NFULL + 1
NBUF = 4


def _rotl32(x, d):
    return ((x << np.uint32(d)) | (x >> np.uint32(32 - d))).astype(np.uint32)


def _threefry2x32(k0, k1, x0, x1):
    rot = ((13, 15, 26, 6), (17, 29, 16, 24))
    ks = (np.uint32(k0), np.uint32(k1),
          np.uint32(np.uint32(k0) ^ np.uint32(k1) ^ np.uint32(0x1BD11BDA)))
    x0 = (x0 + ks[0]).astype(np.uint32)
    x1 = (x1 + ks[1]).astype(np.uint32)
    for i in range(5):
        for r in rot[i % 2]:
            x0 = (x0 + x1).astype(np.uint32)
            x1 = _rotl32(x1, r)
            x1 = (x0 ^ x1).astype(np.uint32)
        x0 = (x0 + ks[(i + 1) % 3]).astype(np.uint32)
        x1 = (x1 + ks[(i + 2) % 3] + np.uint32(i + 1)).astype(np.uint32)
    return x0, x1


def _uniform_key1(shape):
    n = int(np.prod(shape))
    hi = np.zeros(n, dtype=np.uint32)
    lo = np.arange(n, dtype=np.uint32)
    o0, o1 = _threefry2x32(0, 1, hi, lo)
    bits = (o0 ^ o1).astype(np.uint32)
    fb = (bits >> np.uint32(9)) | np.uint32(0x3F800000)
    return (fb.view(np.float32) - np.float32(1.0)).reshape(shape)


def _build_indices():
    scores = _uniform_key1((N, L - 1))
    pm = np.argsort(scores, axis=1, kind="stable")[:, :KEEP] + 1
    pm.sort(axis=1)
    mask = np.concatenate([np.zeros((N, 1), pm.dtype), pm], axis=1)
    bases = (STRIDE * np.arange(NW)) // 8 * 8
    j = bases[:, None] + np.arange(PER_W)[None, :]
    i_pos = j // N
    n_pos = j % N
    return np.ascontiguousarray(
        (mask[n_pos, i_pos] * N + n_pos).astype(np.int32))


_IDX2D = _build_indices()


@functools.cache
def _make_sc_gather():
    @functools.partial(
        pl.kernel,
        mesh=plsc.VectorSubcoreMesh(core_axis_name="c", subcore_axis_name="s"),
        out_type=jax.ShapeDtypeStruct((ROWS, D), jnp.float32),
        scratch_types=(
            [pltpu.VMEM((PER_W,), jnp.int32)]
            + [pltpu.VMEM((CHUNK, D), jnp.float32) for _ in range(NBUF)]
            + [pltpu.SemaphoreType.DMA for _ in range(2 * NBUF)]
        ),
    )
    def _sc_gather(x_hbm, idx_hbm, out_hbm, idx_v, *bufs_sems):
        bufs = bufs_sems[:NBUF]
        gsems = bufs_sems[NBUF:2 * NBUF]
        ssems = bufs_sems[2 * NBUF:]
        wid = lax.axis_index("s") * 2 + lax.axis_index("c")
        base = (STRIDE * wid) // 8 * 8
        pltpu.sync_copy(idx_hbm.at[wid], idx_v)

        gather_h = [None] * NBUF
        scatter_h = [None] * NBUF

        def start_gather(c):
            b = c % NBUF
            sz = CHUNK_SIZES[c]
            idx_slice = idx_v.at[pl.ds(CHUNK_OFFS[c], sz)]
            gather_h[b] = pltpu.async_copy(
                x_hbm.at[idx_slice], bufs[b].at[pl.ds(0, sz)], gsems[b])

        for c in range(min(NBUF - 1, NCHUNK)):
            start_gather(c)
        for c in range(NCHUNK):
            b = c % NBUF
            gather_h[b].wait()
            sz = CHUNK_SIZES[c]
            scatter_h[b] = pltpu.async_copy(
                bufs[b].at[pl.ds(0, sz)],
                out_hbm.at[pl.ds(base + CHUNK_OFFS[c], sz)],
                ssems[b])
            nxt = c + NBUF - 1
            if nxt < NCHUNK:
                nb = nxt % NBUF
                if scatter_h[nb] is not None:
                    scatter_h[nb].wait()
                start_gather(nxt)
        for h in scatter_h:
            if h is not None:
                h.wait()

    return _sc_gather


def kernel(x):
    x_t = jnp.transpose(x, (1, 0, 2)).reshape(L * N, D)
    idx2d = jnp.asarray(_IDX2D)
    out = _make_sc_gather()(x_t, idx2d)
    return jnp.transpose(out.reshape(OUT_L, N, D), (1, 0, 2))

# --- scband reference (transcript-rebuilt; emitter-appended) ---
"""Pipeline reference for scband-sensor-dropout-32409823215655 (READ-ONLY COPY).

The authoritative reference and input builder live on the scoring server;
editing this copy changes nothing except your own understanding.
"""

import jax, jax.numpy as jnp
import numpy as np

KEEP_RATE = 0.5
TOKEN_SHUFFLING = False


def setup_inputs(seed: int = 0) -> dict:
    key = jax.random.key(seed)
    x = jax.random.normal(key, (64, 577, 768), dtype=jnp.float32)
    return {"x": x}


def reference(x):
    # SensorDropout.forward with training=True (or force_drop=True),
    # sampling='uniform', keep_rate=0.5 (attributes assumed set externally
    # in the original codebase; __init__ does not define them).
    N, L, D = x.shape
    _L = L - 1
    keep = int(_L * KEEP_RATE)
    # uniform_mask: iid uniform scores per patch token, argsort, take first `keep`
    rkey = jax.random.key(1)
    scores = jax.random.uniform(rkey, (N, _L), dtype=jnp.float32)
    patch_mask = jnp.argsort(scores, axis=1) + 1  # offset past cls token
    patch_mask = patch_mask[:, :keep]
    if not TOKEN_SHUFFLING:
        patch_mask = jnp.sort(patch_mask, axis=1)
    cls_mask = jnp.zeros((N, 1), dtype=patch_mask.dtype)
    mask = jnp.hstack([cls_mask, patch_mask])  # [N, keep+1]
    # torch.gather(x, 1, mask.unsqueeze(-1).repeat(1,1,D)) == take_along_axis
    out = jnp.take_along_axis(x, mask[:, :, None], axis=1)
    return out

if __name__ == "__main__":
    import jax
    _d = setup_inputs()
    print(jax.jit(kernel)(*tuple(_d.values())))

</pallas_src>

<mosaic_0001>
#map = affine_map<(d0, d1) -> (0, 0)>
module attributes {stable_mosaic.version = 14 : i64} {
  func.func @_sc_gather(%arg0: i32, %arg1: i32, %arg2: memref<36928x768xf32, #tpu.memory_space<hbm>>, %arg3: memref<32x584xi32, #tpu.memory_space<hbm>>, %arg4: memref<18496x768xf32, #tpu.memory_space<hbm>>, %arg5: memref<584xi32, #tpu.memory_space<vmem>>, %arg6: memref<40x768xf32, #tpu.memory_space<vmem>>, %arg7: memref<40x768xf32, #tpu.memory_space<vmem>>, %arg8: memref<40x768xf32, #tpu.memory_space<vmem>>, %arg9: memref<40x768xf32, #tpu.memory_space<vmem>>, %arg10: memref<!tpu.dma_semaphore, #tpu.memory_space<semaphore_mem>>, %arg11: memref<!tpu.dma_semaphore, #tpu.memory_space<semaphore_mem>>, %arg12: memref<!tpu.dma_semaphore, #tpu.memory_space<semaphore_mem>>, %arg13: memref<!tpu.dma_semaphore, #tpu.memory_space<semaphore_mem>>, %arg14: memref<!tpu.dma_semaphore, #tpu.memory_space<semaphore_mem>>, %arg15: memref<!tpu.dma_semaphore, #tpu.memory_space<semaphore_mem>>, %arg16: memref<!tpu.dma_semaphore, #tpu.memory_space<semaphore_mem>>, %arg17: memref<!tpu.dma_semaphore, #tpu.memory_space<semaphore_mem>>) attributes {dimension_semantics = [#tpu.dimension_semantics<core_parallel>, #tpu.dimension_semantics<subcore_parallel>], iteration_bounds = array<i64: 2, 16>, scalar_prefetch = 0 : i64, scratch_operands = 13 : i64, tpu.core_type = #tpu.core_type<sc_vector_subcore>, window_params = [{transform_indices = #map}, {transform_indices = #map}, {transform_indices = #map}]} {
    %mul3A = arith.constant 2 : i32
    %mul3A_0 = arith.muli %arg1, %mul3A : i32
    %add3A = arith.addi %mul3A_0, %arg0 : i32
    %mul3A_1 = arith.constant 578 : i32
    %mul3A_2 = arith.muli %mul3A_1, %add3A : i32
    %jit3A = arith.constant 8 : i32
    %div3A = arith.divsi %mul3A_2, %jit3A : i32
    %sign3A = arith.constant 0 : i32
    %sign3A_3 = arith.cmpi sgt, %mul3A_2, %sign3A : i32
    %sign3A_4 = arith.extui %sign3A_3 : i1 to i32
    %sign3A_5 = arith.constant 0 : i32
    %sign3A_6 = arith.cmpi slt, %mul3A_2, %sign3A_5 : i32
    %sign3A_7 = arith.extui %sign3A_6 : i1 to i32
    %sign3A_8 = arith.subi %sign3A_4, %sign3A_7 : i32
    %sign3A_9 = arith.constant 0 : i32
    %sign3A_10 = arith.cmpi sgt, %jit3A, %sign3A_9 : i32
    %sign3A_11 = arith.extui %sign3A_10 : i1 to i32
    %sign3A_12 = arith.constant 0 : i32
    %sign3A_13 = arith.cmpi slt, %jit3A, %sign3A_12 : i32
    %sign3A_14 = arith.extui %sign3A_13 : i1 to i32
    %sign3A_15 = arith.subi %sign3A_11, %sign3A_14 : i32
    %ne3A = arith.cmpi ne, %sign3A_8, %sign3A_15 : i32
    %rem3A = arith.remsi %mul3A_2, %jit3A : i32
    %ne3A_16 = arith.constant 0 : i32
    %ne3A_17 = arith.cmpi ne, %rem3A, %ne3A_16 : i32
    %and3A = arith.andi %ne3A, %ne3A_17 : i1
    %sub3A = arith.constant 1 : i32
    %sub3A_18 = arith.subi %div3A, %sub3A : i32
    %select_n3A = arith.select %and3A, %sub3A_18, %div3A : i32
    %mul3A_19 = arith.constant 8 : i32
    %mul3A_20 = arith.muli %select_n3A, %mul3A_19 : i32
    "tpu.region"() ({
      %run_scoped3A = tpu.sem_alloc : memref<!tpu.dma_semaphore, #tpu.memory_space<semaphore_mem>>
      %dma_start3A_589 = arith.constant 0 : i32
      %dma_start3A_590 = tpu.memref_slice %arg3[%add3A, %dma_start3A_589] : memref<32x584xi32, #tpu.memory_space<hbm>> -> memref<1x584xi32, #tpu.memory_space<hbm>>
      %dma_start3A_591 = tpu.memref_squeeze %dma_start3A_590 : memref<1x584xi32, #tpu.memory_space<hbm>> -> memref<584xi32, #tpu.memory_space<hbm>>
      %dma_start3A_592 = arith.constant 0 : i32
      %dma_start3A_593 = tpu.memref_slice %arg3[%add3A, %dma_start3A_592] : memref<32x584xi32, #tpu.memory_space<hbm>> -> memref<1x584xi32, #tpu.memory_space<hbm>>
      %dma_start3A_594 = tpu.memref_squeeze %dma_start3A_593 : memref<1x584xi32, #tpu.memory_space<hbm>> -> memref<584xi32, #tpu.memory_space<hbm>>
      tpu.enqueue_dma source(%dma_start3A_594 : memref<584xi32, #tpu.memory_space<hbm>>) target(%arg5 : memref<584xi32, #tpu.memory_space<vmem>>) target_semaphore(%run_scoped3A : memref<!tpu.dma_semaphore, #tpu.memory_space<semaphore_mem>>)
      %dma_wait3A_595 = arith.constant 0 : i32
      %dma_wait3A_596 = tpu.memref_slice %arg3[%add3A, %dma_wait3A_595] : memref<32x584xi32, #tpu.memory_space<hbm>> -> memref<1x584xi32, #tpu.memory_space<hbm>>
      %dma_wait3A_597 = tpu.memref_squeeze %dma_wait3A_596 : memref<1x584xi32, #tpu.memory_space<hbm>> -> memref<584xi32, #tpu.memory_space<hbm>>
      %dma_wait3A_598 = arith.constant 0 : i32
      %dma_wait3A_599 = tpu.memref_slice %arg3[%add3A, %dma_wait3A_598] : memref<32x584xi32, #tpu.memory_space<hbm>> -> memref<1x584xi32, #tpu.memory_space<hbm>>
      %dma_wait3A_600 = tpu.memref_squeeze %dma_wait3A_599 : memref<1x584xi32, #tpu.memory_space<hbm>> -> memref<584xi32, #tpu.memory_space<hbm>>
      tpu.wait_dma2 semaphore(%run_scoped3A : memref<!tpu.dma_semaphore, #tpu.memory_space<semaphore_mem>>) src(%dma_wait3A_600 : memref<584xi32, #tpu.memory_space<hbm>>) dst(%arg5 : memref<584xi32, #tpu.memory_space<vmem>>)
      tpu.yield
    }) : () -> ()
    %dma_start3A = arith.constant 0 : i32
    %dma_start3A_21 = arith.constant 0 : i32
    %dma_start3A_22 = tpu.memref_slice %arg6[%dma_start3A, %dma_start3A_21] : memref<40x768xf32, #tpu.memory_space<vmem>> -> memref<40x768xf32, #tpu.memory_space<vmem>>
    %dma_start3A_23 = arith.constant 0 : i32
    %dma_start3A_24 = tpu.memref_slice %arg5[%dma_start3A_23] : memref<584xi32, #tpu.memory_space<vmem>> -> memref<40xi32, #tpu.memory_space<vmem>>
    %dma_start3A_25 = arith.constant 0 : i32
    %dma_start3A_26 = arith.constant 0 : i32
    %dma_start3A_27 = tpu.memref_slice %arg2[%dma_start3A_25, %dma_start3A_26] : memref<36928x768xf32, #tpu.memory_space<hbm>> -> memref<36928x768xf32, #tpu.memory_space<hbm>>
    tpu.enqueue_indirect_dma source(%dma_start3A_27 : memref<36928x768xf32, #tpu.memory_space<hbm>>) target(%dma_start3A_22 : memref<40x768xf32, #tpu.memory_space<vmem>>) offsets(%dma_start3A_24 : memref<40xi32, #tpu.memory_space<vmem>>) semaphore(%arg10 : memref<!tpu.dma_semaphore, #tpu.memory_space<semaphore_mem>>)
    %dma_start3A_28 = arith.constant 0 : i32
    %dma_start3A_29 = arith.constant 0 : i32
    %dma_start3A_30 = tpu.memref_slice %arg7[%dma_start3A_28, %dma_start3A_29] : memref<40x768xf32, #tpu.memory_space<vmem>> -> memref<40x768xf32, #tpu.memory_space<vmem>>
    %dma_start3A_31 = arith.constant 40 : i32
    %dma_start3A_32 = tpu.memref_slice %arg5[%dma_start3A_31] : memref<584xi32, #tpu.memory_space<vmem>> -> memref<40xi32, #tpu.memory_space<vmem>>
    %dma_start3A_33 = arith.constant 0 : i32
    %dma_start3A_34 = arith.constant 0 : i32
    %dma_start3A_35 = tpu.memref_slice %arg2[%dma_start3A_33, %dma_start3A_34] : memref<36928x768xf32, #tpu.memory_space<hbm>> -> memref<36928x768xf32, #tpu.memory_space<hbm>>
    tpu.enqueue_indirect_dma source(%dma_start3A_35 : memref<36928x768xf32, #tpu.memory_space<hbm>>) target(%dma_start3A_30 : memref<40x768xf32, #tpu.memory_space<vmem>>) offsets(%dma_start3A_32 : memref<40xi32, #tpu.memory_space<vmem>>) semaphore(%arg11 : memref<!tpu.dma_semaphore, #tpu.memory_space<semaphore_mem>>)
    %dma_start3A_36 = arith.constant 0 : i32
    %dma_start3A_37 = arith.constant 0 : i32
    %dma_start3A_38 = tpu.memref_slice %arg8[%dma_start3A_36, %dma_start3A_37] : memref<40x768xf32, #tpu.memory_space<vmem>> -> memref<40x768xf32, #tpu.memory_space<vmem>>
    %dma_start3A_39 = arith.constant 80 : i32
    %dma_start3A_40 = tpu.memref_slice %arg5[%dma_start3A_39] : memref<584xi32, #tpu.memory_space<vmem>> -> memref<40xi32, #tpu.memory_space<vmem>>
    %dma_start3A_41 = arith.constant 0 : i32
    %dma_start3A_42 = arith.constant 0 : i32
    %dma_start3A_43 = tpu.memref_slice %arg2[%dma_start3A_41, %dma_start3A_42] : memref<36928x768xf32, #tpu.memory_space<hbm>> -> memref<36928x768xf32, #tpu.memory_space<hbm>>
    tpu.enqueue_indirect_dma source(%dma_start3A_43 : memref<36928x768xf32, #tpu.memory_space<hbm>>) target(%dma_start3A_38 : memref<40x768xf32, #tpu.memory_space<vmem>>) offsets(%dma_start3A_40 : memref<40xi32, #tpu.memory_space<vmem>>) semaphore(%arg12 : memref<!tpu.dma_semaphore, #tpu.memory_space<semaphore_mem>>)
    %dma_wait3A = arith.constant 0 : i32
    %dma_wait3A_44 = arith.constant 0 : i32
    %dma_wait3A_45 = tpu.memref_slice %arg6[%dma_wait3A, %dma_wait3A_44] : memref<40x768xf32, #tpu.memory_space<vmem>> -> memref<40x768xf32, #tpu.memory_space<vmem>>
    %dma_wait3A_46 = arith.constant 0 : i32
    %dma_wait3A_47 = tpu.memref_slice %arg5[%dma_wait3A_46] : memref<584xi32, #tpu.memory_space<vmem>> -> memref<40xi32, #tpu.memory_space<vmem>>
    %dma_wait3A_48 = arith.constant 0 : i32
    %dma_wait3A_49 = arith.constant 0 : i32
    %dma_wait3A_50 = tpu.memref_slice %arg2[%dma_wait3A_48, %dma_wait3A_49] : memref<36928x768xf32, #tpu.memory_space<hbm>> -> memref<36928x768xf32, #tpu.memory_space<hbm>>
    tpu.wait_indirect_dma semaphore(%arg10 : memref<!tpu.dma_semaphore, #tpu.memory_space<semaphore_mem>>) src(%dma_wait3A_50 : memref<36928x768xf32, #tpu.memory_space<hbm>>) dst(%dma_wait3A_45 : memref<40x768xf32, #tpu.memory_space<vmem>>)
    %add3A_51 = arith.constant 0 : i32
    %add3A_52 = arith.addi %mul3A_20, %add3A_51 : i32
    %dma_start3A_53 = arith.constant 0 : i32
    %dma_start3A_54 = arith.constant 0 : i32
    %dma_start3A_55 = tpu.memref_slice %arg6[%dma_start3A_53, %dma_start3A_54] : memref<40x768xf32, #tpu.memory_space<vmem>> -> memref<40x768xf32, #tpu.memory_space<vmem>>
    %dma_start3A_56 = arith.constant 0 : i32
    %dma_start3A_57 = tpu.memref_slice %arg4[%add3A_52, %dma_start3A_56] : memref<18496x768xf32, #tpu.memory_space<hbm>> -> memref<40x768xf32, #tpu.memory_space<hbm>>
    %dma_start3A_58 = arith.constant 0 : i32
    %dma_start3A_59 = tpu.memref_slice %arg4[%add3A_52, %dma_start3A_58] : memref<18496x768xf32, #tpu.memory_space<hbm>> -> memref<40x768xf32, #tpu.memory_space<hbm>>
    %dma_start3A_60 = arith.constant 0 : i32
    %dma_start3A_61 = arith.constant 0 : i32
    %dma_start3A_62 = tpu.memref_slice %arg6[%dma_start3A_60, %dma_start3A_61] : memref<40x768xf32, #tpu.memory_space<vmem>> -> memref<40x768xf32, #tpu.memory_space<vmem>>
    tpu.enqueue_dma source(%dma_start3A_62 : memref<40x768xf32, #tpu.memory_space<vmem>>) target(%dma_start3A_59 : memref<40x768xf32, #tpu.memory_space<hbm>>) target_semaphore(%arg14 : memref<!tpu.dma_semaphore, #tpu.memory_space<semaphore_mem>>)
    %dma_start3A_63 = arith.constant 0 : i32
    %dma_start3A_64 = arith.constant 0 : i32
    %dma_start3A_65 = tpu.memref_slice %arg9[%dma_start3A_63, %dma_start3A_64] : memref<40x768xf32, #tpu.memory_space<vmem>> -> memref<40x768xf32, #tpu.memory_space<vmem>>
    %dma_start3A_66 = arith.constant 120 : i32
    %dma_start3A_67 = tpu.memref_slice %arg5[%dma_start3A_66] : memref<584xi32, #tpu.memory_space<vmem>> -> memref<40xi32, #tpu.memory_space<vmem>>
    %dma_start3A_68 = arith.constant 0 : i32
    %dma_start3A_69 = arith.constant 0 : i32
    %dma_start3A_70 = tpu.memref_slice %arg2[%dma_start3A_68, %dma_start3A_69] : memref<36928x768xf32, #tpu.memory_space<hbm>> -> memref<36928x768xf32, #tpu.memory_space<hbm>>
    tpu.enqueue_indirect_dma source(%dma_start3A_70 : memref<36928x768xf32, #tpu.memory_space<hbm>>) target(%dma_start3A_65 : memref<40x768xf32, #tpu.memory_space<vmem>>) offsets(%dma_start3A_67 : memref<40xi32, #tpu.memory_space<vmem>>) semaphore(%arg13 : memref<!tpu.dma_semaphore, #tpu.memory_space<semaphore_mem>>)
    %dma_wait3A_71 = arith.constant 0 : i32
    %dma_wait3A_72 = arith.constant 0 : i32
    %dma_wait3A_73 = tpu.memref_slice %arg7[%dma_wait3A_71, %dma_wait3A_72] : memref<40x768xf32, #tpu.memory_space<vmem>> -> memref<40x768xf32, #tpu.memory_space<vmem>>
    %dma_wait3A_74 = arith.constant 40 : i32
    %dma_wait3A_75 = tpu.memref_slice %arg5[%dma_wait3A_74] : memref<584xi32, #tpu.memory_space<vmem>> -> memref<40xi32, #tpu.memory_space<vmem>>
    %dma_wait3A_76 = arith.constant 0 : i32
    %dma_wait3A_77 = arith.constant 0 : i32
    %dma_wait3A_78 = tpu.memref_slice %arg2[%dma_wait3A_76, %dma_wait3A_77] : memref<36928x768xf32, #tpu.memory_space<hbm>> -> memref<36928x768xf32, #tpu.memory_space<hbm>>
    tpu.wait_indirect_dma semaphore(%arg11 : memref<!tpu.dma_semaphore, #tpu.memory_space<semaphore_mem>>) src(%dma_wait3A_78 : memref<36928x768xf32, #tpu.memory_space<hbm>>) dst(%dma_wait3A_73 : memref<40x768xf32, #tpu.memory_space<vmem>>)
    %add3A_79 = arith.constant 40 : i32
    %add3A_80 = arith.addi %mul3A_20, %add3A_79 : i32
    %dma_start3A_81 = arith.constant 0 : i32
    %dma_start3A_82 = arith.constant 0 : i32
    %dma_start3A_83 = tpu.memref_slice %arg7[%dma_start3A_81, %dma_start3A_82] : memref<40x768xf32, #tpu.memory_space<vmem>> -> memref<40x768xf32, #tpu.memory_space<vmem>>
    %dma_start3A_84 = arith.constant 0 : i32
    %dma_start3A_85 = tpu.memref_slice %arg4[%add3A_80, %dma_start3A_84] : memref<18496x768xf32, #tpu.memory_space<hbm>> -> memref<40x768xf32, #tpu.memory_space<hbm>>
    %dma_start3A_86 = arith.constant 0 : i32
    %dma_start3A_87 = tpu.memref_slice %arg4[%add3A_80, %dma_start3A_86] : memref<18496x768xf32, #tpu.memory_space<hbm>> -> memref<40x768xf32, #tpu.memory_space<hbm>>
    %dma_start3A_88 = arith.constant 0 : i32
    %dma_start3A_89 = arith.constant 0 : i32
    %dma_start3A_90 = tpu.memref_slice %arg7[%dma_start3A_88, %dma_start3A_89] : memref<40x768xf32, #tpu.memory_space<vmem>> -> memref<40x768xf32, #tpu.memory_space<vmem>>
    tpu.enqueue_dma source(%dma_start3A_90 : memref<40x768xf32, #tpu.memory_space<vmem>>) target(%dma_start3A_87 : memref<40x768xf32, #tpu.memory_space<hbm>>) target_semaphore(%arg15 : memref<!tpu.dma_semaphore, #tpu.memory_space<semaphore_mem>>)
    %dma_wait3A_91 = arith.constant 0 : i32
    %dma_wait3A_92 = arith.constant 0 : i32
    %dma_wait3A_93 = tpu.memref_slice %arg6[%dma_wait3A_91, %dma_wait3A_92] : memref<40x768xf32, #tpu.memory_space<vmem>> -> memref<40x768xf32, #tpu.memory_space<vmem>>
    %dma_wait3A_94 = arith.constant 0 : i32
    %dma_wait3A_95 = tpu.memref_slice %arg4[%add3A_52, %dma_wait3A_94] : memref<18496x768xf32, #tpu.memory_space<hbm>> -> memref<40x768xf32, #tpu.memory_space<hbm>>
    %dma_wait3A_96 = arith.constant 0 : i32
    %dma_wait3A_97 = tpu.memref_slice %arg4[%add3A_52, %dma_wait3A_96] : memref<18496x768xf32, #tpu.memory_space<hbm>> -> memref<40x768xf32, #tpu.memory_space<hbm>>
    %dma_wait3A_98 = arith.constant 0 : i32
    %dma_wait3A_99 = arith.constant 0 : i32
    %dma_wait3A_100 = tpu.memref_slice %arg6[%dma_wait3A_98, %dma_wait3A_99] : memref<40x768xf32, #tpu.memory_space<vmem>> -> memref<40x768xf32, #tpu.memory_space<vmem>>
    tpu.wait_dma2 semaphore(%arg14 : memref<!tpu.dma_semaphore, #tpu.memory_space<semaphore_mem>>) src(%dma_wait3A_100 : memref<40x768xf32, #tpu.memory_space<vmem>>) dst(%dma_wait3A_97 : memref<40x768xf32, #tpu.memory_space<hbm>>)
    %dma_start3A_101 = arith.constant 0 : i32
    %dma_start3A_102 = arith.constant 0 : i32
    %dma_start3A_103 = tpu.memref_slice %arg6[%dma_start3A_101, %dma_start3A_102] : memref<40x768xf32, #tpu.memory_space<vmem>> -> memref<40x768xf32, #tpu.memory_space<vmem>>
    %dma_start3A_104 = arith.constant 160 : i32
    %dma_start3A_105 = tpu.memref_slice %arg5[%dma_start3A_104] : memref<584xi32, #tpu.memory_space<vmem>> -> memref<40xi32, #tpu.memory_space<vmem>>
    %dma_start3A_106 = arith.constant 0 : i32
    %dma_start3A_107 = arith.constant 0 : i32
    %dma_start3A_108 = tpu.memref_slice %arg2[%dma_start3A_106, %dma_start3A_107] : memref<36928x768xf32, #tpu.memory_space<hbm>> -> memref<36928x768xf32, #tpu.memory_space<hbm>>
    tpu.enqueue_indirect_dma source(%dma_start3A_108 : memref<36928x768xf32, #tpu.memory_space<hbm>>) target(%dma_start3A_103 : memref<40x768xf32, #tpu.memory_space<vmem>>) offsets(%dma_start3A_105 : memref<40xi32, #tpu.memory_space<vmem>>) semaphore(%arg10 : memref<!tpu.dma_semaphore, #tpu.memory_space<semaphore_mem>>)
    %dma_wait3A_109 = arith.constant 0 : i32
    %dma_wait3A_110 = arith.constant 0 : i32
    %dma_wait3A_111 = tpu.memref_slice %arg8[%dma_wait3A_109, %dma_wait3A_110] : memref<40x768xf32, #tpu.memory_space<vmem>> -> memref<40x768xf32, #tpu.memory_space<vmem>>
    %dma_wait3A_112 = arith.constant 80 : i32
    %dma_wait3A_113 = tpu.memref_slice %arg5[%dma_wait3A_112] : memref<584xi32, #tpu.memory_space<vmem>> -> memref<40xi32, #tpu.memory_space<vmem>>
    %dma_wait3A_114 = arith.constant 0 : i32
    %dma_wait3A_115 = arith.constant 0 : i32
    %dma_wait3A_116 = tpu.memref_slice %arg2[%dma_wait3A_114, %dma_wait3A_115] : memref<36928x768xf32, #tpu.memory_space<hbm>> -> memref<36928x768xf32, #tpu.memory_space<hbm>>
    tpu.wait_indirect_dma semaphore(%arg12 : memref<!tpu.dma_semaphore, #tpu.memory_space<semaphore_mem>>) src(%dma_wait3A_116 : memref<36928x768xf32, #tpu.memory_space<hbm>>) dst(%dma_wait3A_111 : memref<40x768xf32, #tpu.memory_space<vmem>>)
    %add3A_117 = arith.constant 80 : i32
    %add3A_118 = arith.addi %mul3A_20, %add3A_117 : i32
    %dma_start3A_119 = arith.constant 0 : i32
    %dma_start3A_120 = arith.constant 0 : i32
    %dma_start3A_121 = tpu.memref_slice %arg8[%dma_start3A_119, %dma_start3A_120] : memref<40x768xf32, #tpu.memory_space<vmem>> -> memref<40x768xf32, #tpu.memory_space<vmem>>
    %dma_start3A_122 = arith.constant 0 : i32
    %dma_start3A_123 = tpu.memref_slice %arg4[%add3A_118, %dma_start3A_122] : memref<18496x768xf32, #tpu.memory_space<hbm>> -> memref<40x768xf32, #tpu.memory_space<hbm>>
    %dma_start3A_124 = arith.constant 0 : i32
    %dma_start3A_125 = tpu.memref_slice %arg4[%add3A_118, %dma_start3A_124] : memref<18496x768xf32, #tpu.memory_space<hbm>> -> memref<40x768xf32, #tpu.memory_space<hbm>>
    %dma_start3A_126 = arith.constant 0 : i32
    %dma_start3A_127 = arith.constant 0 : i32
    %dma_start3A_128 = tpu.memref_slice %arg8[%dma_start3A_126, %dma_start3A_127] : memref<40x768xf32, #tpu.memory_space<vmem>> -> memref<40x768xf32, #tpu.memory_space<vmem>>
    tpu.enqueue_dma source(%dma_start3A_128 : memref<40x768xf32, #tpu.memory_space<vmem>>) target(%dma_start3A_125 : memref<40x768xf32, #tpu.memory_space<hbm>>) target_semaphore(%arg16 : memref<!tpu.dma_semaphore, #tpu.memory_space<semaphore_mem>>)
    %dma_wait3A_129 = arith.constant 0 : i32
    %dma_wait3A_130 = arith.constant 0 : i32
    %dma_wait3A_131 = tpu.memref_slice %arg7[%dma_wait3A_129, %dma_wait3A_130] : memref<40x768xf32, #tpu.memory_space<vmem>> -> memref<40x768xf32, #tpu.memory_space<vmem>>
    %dma_wait3A_132 = arith.constant 0 : i32
    %dma_wait3A_133 = tpu.memref_slice %arg4[%add3A_80, %dma_wait3A_132] : memref<18496x768xf32, #tpu.memory_space<hbm>> -> memref<40x768xf32, #tpu.memory_space<hbm>>
    %dma_wait3A_134 = arith.constant 0 : i32
    %dma_wait3A_135 = tpu.memref_slice %arg4[%add3A_80, %dma_wait3A_134] : memref<18496x768xf32, #tpu.memory_space<hbm>> -> memref<40x768xf32, #tpu.memory_space<hbm>>
    %dma_wait3A_136 = arith.constant 0 : i32
    %dma_wait3A_137 = arith.constant 0 : i32
    %dma_wait3A_138 = tpu.memref_slice %arg7[%dma_wait3A_136, %dma_wait3A_137] : memref<40x768xf32, #tpu.memory_space<vmem>> -> memref<40x768xf32, #tpu.memory_space<vmem>>
    tpu.wait_dma2 semaphore(%arg15 : memref<!tpu.dma_semaphore, #tpu.memory_space<semaphore_mem>>) src(%dma_wait3A_138 : memref<40x768xf32, #tpu.memory_space<vmem>>) dst(%dma_wait3A_135 : memref<40x768xf32, #tpu.memory_space<hbm>>)
    %dma_start3A_139 = arith.constant 0 : i32
    %dma_start3A_140 = arith.constant 0 : i32
    %dma_start3A_141 = tpu.memref_slice %arg7[%dma_start3A_139, %dma_start3A_140] : memref<40x768xf32, #tpu.memory_space<vmem>> -> memref<40x768xf32, #tpu.memory_space<vmem>>
    %dma_start3A_142 = arith.constant 200 : i32
    %dma_start3A_143 = tpu.memref_slice %arg5[%dma_start3A_142] : memref<584xi32, #tpu.memory_space<vmem>> -> memref<40xi32, #tpu.memory_space<vmem>>
    %dma_start3A_144 = arith.constant 0 : i32
    %dma_start3A_145 = arith.constant 0 : i32
    %dma_start3A_146 = tpu.memref_slice %arg2[%dma_start3A_144, %dma_start3A_145] : memref<36928x768xf32, #tpu.memory_space<hbm>> -> memref<36928x768xf32, #tpu.memory_space<hbm>>
    tpu.enqueue_indirect_dma source(%dma_start3A_146 : memref<36928x768xf32, #tpu.memory_space<hbm>>) target(%dma_start3A_141 : memref<40x768xf32, #tpu.memory_space<vmem>>) offsets(%dma_start3A_143 : memref<40xi32, #tpu.memory_space<vmem>>) semaphore(%arg11 : memref<!tpu.dma_semaphore, #tpu.memory_space<semaphore_mem>>)
    %dma_wait3A_147 = arith.constant 0 : i32
    %dma_wait3A_148 = arith.constant 0 : i32
    %dma_wait3A_149 = tpu.memref_slice %arg9[%dma_wait3A_147, %dma_wait3A_148] : memref<40x768xf32, #tpu.memory_space<vmem>> -> memref<40x768xf32, #tpu.memory_space<vmem>>
    %dma_wait3A_150 = arith.constant 120 : i32
    %dma_wait3A_151 = tpu.memref_slice %arg5[%dma_wait3A_150] : memref<584xi32, #tpu.memory_space<vmem>> -> memref<40xi32, #tpu.memory_space<vmem>>
    %dma_wait3A_152 = arith.constant 0 : i32
    %dma_wait3A_153 = arith.constant 0 : i32
    %dma_wait3A_154 = tpu.memref_slice %arg2[%dma_wait3A_152, %dma_wait3A_153] : memref<36928x768xf32, #tpu.memory_space<hbm>> -> memref<36928x768xf32, #tpu.memory_space<hbm>>
    tpu.wait_indirect_dma semaphore(%arg13 : memref<!tpu.dma_semaphore, #tpu.memory_space<semaphore_mem>>) src(%dma_wait3A_154 : memref<36928x768xf32, #tpu.memory_space<hbm>>) dst(%dma_wait3A_149 : memref<40x768xf32, #tpu.memory_space<vmem>>)
    %add3A_155 = arith.constant 120 : i32
    %add3A_156 = arith.addi %mul3A_20, %add3A_155 : i32
    %dma_start3A_157 = arith.constant 0 : i32
    %dma_start3A_158 = arith.constant 0 : i32
    %dma_start3A_159 = tpu.memref_slice %arg9[%dma_start3A_157, %dma_start3A_158] : memref<40x768xf32, #tpu.memory_space<vmem>> -> memref<40x768xf32, #tpu.memory_space<vmem>>
    %dma_start3A_160 = arith.constant 0 : i32
    %dma_start3A_161 = tpu.memref_slice %arg4[%add3A_156, %dma_start3A_160] : memref<18496x768xf32, #tpu.memory_space<hbm>> -> memref<40x768xf32, #tpu.memory_space<hbm>>
    %dma_start3A_162 = arith.constant 0 : i32
    %dma_start3A_163 = tpu.memref_slice %arg4[%add3A_156, %dma_start3A_162] : memref<18496x768xf32, #tpu.memory_space<hbm>> -> memref<40x768xf32, #tpu.memory_space<hbm>>
    %dma_start3A_164 = arith.constant 0 : i32
    %dma_start3A_165 = arith.constant 0 : i32
    %dma_start3A_166 = tpu.memref_slice %arg9[%dma_start3A_164, %dma_start3A_165] : memref<40x768xf32, #tpu.memory_space<vmem>> -> memref<40x768xf32, #tpu.memory_space<vmem>>
    tpu.enqueue_dma source(%dma_start3A_166 : memref<40x768xf32, #tpu.memory_space<vmem>>) target(%dma_start3A_163 : memref<40x768xf32, #tpu.memory_space<hbm>>) target_semaphore(%arg17 : memref<!tpu.dma_semaphore, #tpu.memory_space<semaphore_mem>>)
    %dma_wait3A_167 = arith.constant 0 : i32
    %dma_wait3A_168 = arith.constant 0 : i32
    %dma_wait3A_169 = tpu.memref_slice %arg8[%dma_wait3A_167, %dma_wait3A_168] : memref<40x768xf32, #tpu.memory_space<vmem>> -> memref<40x768xf32, #tpu.memory_space<vmem>>
    %dma_wait3A_170 = arith.constant 0 : i32
    %dma_wait3A_171 = tpu.memref_slice %arg4[%add3A_118, %dma_wait3A_170] : memref<18496x768xf32, #tpu.memory_space<hbm>> -> memref<40x768xf32, #tpu.memory_space<hbm>>
    %dma_wait3A_172 = arith.constant 0 : i32
    %dma_wait3A_173 = tpu.memref_slice %arg4[%add3A_118, %dma_wait3A_172] : memref<18496x768xf32, #tpu.memory_space<hbm>> -> memref<40x768xf32, #tpu.memory_space<hbm>>
    %dma_wait3A_174 = arith.constant 0 : i32
    %dma_wait3A_175 = arith.constant 0 : i32
    %dma_wait3A_176 = tpu.memref_slice %arg8[%dma_wait3A_174, %dma_wait3A_175] : memref<40x768xf32, #tpu.memory_space<vmem>> -> memref<40x768xf32, #tpu.memory_space<vmem>>
    tpu.wait_dma2 semaphore(%arg16 : memref<!tpu.dma_semaphore, #tpu.memory_space<semaphore_mem>>) src(%dma_wait3A_176 : memref<40x768xf32, #tpu.memory_space<vmem>>) dst(%dma_wait3A_173 : memref<40x768xf32, #tpu.memory_space<hbm>>)
    %dma_start3A_177 = arith.constant 0 : i32
    %dma_start3A_178 = arith.constant 0 : i32
    %dma_start3A_179 = tpu.memref_slice %arg8[%dma_start3A_177, %dma_start3A_178] : memref<40x768xf32, #tpu.memory_space<vmem>> -> memref<40x768xf32, #tpu.memory_space<vmem>>
    %dma_start3A_180 = arith.constant 240 : i32
    %dma_start3A_181 = tpu.memref_slice %arg5[%dma_start3A_180] : memref<584xi32, #tpu.memory_space<vmem>> -> memref<40xi32, #tpu.memory_space<vmem>>
    %dma_start3A_182 = arith.constant 0 : i32
    %dma_start3A_183 = arith.constant 0 : i32
    %dma_start3A_184 = tpu.memref_slice %arg2[%dma_start3A_182, %dma_start3A_183] : memref<36928x768xf32, #tpu.memory_space<hbm>> -> memref<36928x768xf32, #tpu.memory_space<hbm>>
    tpu.enqueue_indirect_dma source(%dma_start3A_184 : memref<36928x768xf32, #tpu.memory_space<hbm>>) target(%dma_start3A_179 : memref<40x768xf32, #tpu.memory_space<vmem>>) offsets(%dma_start3A_181 : memref<40xi32, #tpu.memory_space<vmem>>) semaphore(%arg12 : memref<!tpu.dma_semaphore, #tpu.memory_space<semaphore_mem>>)
    %dma_wait3A_185 = arith.constant 0 : i32
    %dma_wait3A_186 = arith.constant 0 : i32
    %dma_wait3A_187 = tpu.memref_slice %arg6[%dma_wait3A_185, %dma_wait3A_186] : memref<40x768xf32, #tpu.memory_space<vmem>> -> memref<40x768xf32, #tpu.memory_space<vmem>>
    %dma_wait3A_188 = arith.constant 160 : i32
    %dma_wait3A_189 = tpu.memref_slice %arg5[%dma_wait3A_188] : memref<584xi32, #tpu.memory_space<vmem>> -> memref<40xi32, #tpu.memory_space<vmem>>
    %dma_wait3A_190 = arith.constant 0 : i32
    %dma_wait3A_191 = arith.constant 0 : i32
    %dma_wait3A_192 = tpu.memref_slice %arg2[%dma_wait3A_190, %dma_wait3A_191] : memref<36928x768xf32, #tpu.memory_space<hbm>> -> memref<36928x768xf32, #tpu.memory_space<hbm>>
    tpu.wait_indirect_dma semaphore(%arg10 : memref<!tpu.dma_semaphore, #tpu.memory_space<semaphore_mem>>) src(%dma_wait3A_192 : memref<36928x768xf32, #tpu.memory_space<hbm>>) dst(%dma_wait3A_187 : memref<40x768xf32, #tpu.memory_space<vmem>>)
    %add3A_193 = arith.constant 160 : i32
    %add3A_194 = arith.addi %mul3A_20, %add3A_193 : i32
    %dma_start3A_195 = arith.constant 0 : i32
    %dma_start3A_196 = arith.constant 0 : i32
    %dma_start3A_197 = tpu.memref_slice %arg6[%dma_start3A_195, %dma_start3A_196] : memref<40x768xf32, #tpu.memory_space<vmem>> -> memref<40x768xf32, #tpu.memory_space<vmem>>
    %dma_start3A_198 = arith.constant 0 : i32
    %dma_start3A_199 = tpu.memref_slice %arg4[%add3A_194, %dma_start3A_198] : memref<18496x768xf32, #tpu.memory_space<hbm>> -> memref<40x768xf32, #tpu.memory_space<hbm>>
    %dma_start3A_200 = arith.constant 0 : i32
    %dma_start3A_201 = tpu.memref_slice %arg4[%add3A_194, %dma_start3A_200] : memref<18496x768xf32, #tpu.memory_space<hbm>> -> memref<40x768xf32, #tpu.memory_space<hbm>>
    %dma_start3A_202 = arith.constant 0 : i32
    %dma_start3A_203 = arith.constant 0 : i32
    %dma_start3A_204 = tpu.memref_slice %arg6[%dma_start3A_202, %dma_start3A_203] : memref<40x768xf32, #tpu.memory_space<vmem>> -> memref<40x768xf32, #tpu.memory_space<vmem>>
    tpu.enqueue_dma source(%dma_start3A_204 : memref<40x768xf32, #tpu.memory_space<vmem>>) target(%dma_start3A_201 : memref<40x768xf32, #tpu.memory_space<hbm>>) target_semaphore(%arg14 : memref<!tpu.dma_semaphore, #tpu.memory_space<semaphore_mem>>)
    %dma_wait3A_205 = arith.constant 0 : i32
    %dma_wait3A_206 = arith.constant 0 : i32
    %dma_wait3A_207 = tpu.memref_slice %arg9[%dma_wait3A_205, %dma_wait3A_206] : memref<40x768xf32, #tpu.memory_space<vmem>> -> memref<40x768xf32, #tpu.memory_space<vmem>>
    %dma_wait3A_208 = arith.constant 0 : i32
    %dma_wait3A_209 = tpu.memref_slice %arg4[%add3A_156, %dma_wait3A_208] : memref<18496x768xf32, #tpu.memory_space<hbm>> -> memref<40x768xf32, #tpu.memory_space<hbm>>
    %dma_wait3A_210 = arith.constant 0 : i32
    %dma_wait3A_211 = tpu.memref_slice %arg4[%add3A_156, %dma_wait3A_210] : memref<18496x768xf32, #tpu.memory_space<hbm>> -> memref<40x768xf32, #tpu.memory_space<hbm>>
    %dma_wait3A_212 = arith.constant 0 : i32
    %dma_wait3A_213 = arith.constant 0 : i32
    %dma_wait3A_214 = tpu.memref_slice %arg9[%dma_wait3A_212, %dma_wait3A_213] : memref<40x768xf32, #tpu.memory_space<vmem>> -> memref<40x768xf32, #tpu.memory_space<vmem>>
    tpu.wait_dma2 semaphore(%arg17 : memref<!tpu.dma_semaphore, #tpu.memory_space<semaphore_mem>>) src(%dma_wait3A_214 : memref<40x768xf32, #tpu.memory_space<vmem>>) dst(%dma_wait3A_211 : memref<40x768xf32, #tpu.memory_space<hbm>>)
    %dma_start3A_215 = arith.constant 0 : i32
    %dma_start3A_216 = arith.constant 0 : i32
    %dma_start3A_217 = tpu.memref_slice %arg9[%dma_start3A_215, %dma_start3A_216] : memref<40x768xf32, #tpu.memory_space<vmem>> -> memref<40x768xf32, #tpu.memory_space<vmem>>
    %dma_start3A_218 = arith.constant 280 : i32
    %dma_start3A_219 = tpu.memref_slice %arg5[%dma_start3A_218] : memref<584xi32, #tpu.memory_space<vmem>> -> memref<40xi32, #tpu.memory_space<vmem>>
    %dma_start3A_220 = arith.constant 0 : i32
    %dma_start3A_221 = arith.constant 0 : i32
    %dma_start3A_222 = tpu.memref_slice %arg2[%dma_start3A_220, %dma_start3A_221] : memref<36928x768xf32, #tpu.memory_space<hbm>> -> memref<36928x768xf32, #tpu.memory_space<hbm>>
    tpu.enqueue_indirect_dma source(%dma_start3A_222 : memref<36928x768xf32, #tpu.memory_space<hbm>>) target(%dma_start3A_217 : memref<40x768xf32, #tpu.memory_space<vmem>>) offsets(%dma_start3A_219 : memref<40xi32, #tpu.memory_space<vmem>>) semaphore(%arg13 : memref<!tpu.dma_semaphore, #tpu.memory_space<semaphore_mem>>)
    %dma_wait3A_223 = arith.constant 0 : i32
    %dma_wait3A_224 = arith.constant 0 : i32
    %dma_wait3A_225 = tpu.memref_slice %arg7[%dma_wait3A_223, %dma_wait3A_224] : memref<40x768xf32, #tpu.memory_space<vmem>> -> memref<40x768xf32, #tpu.memory_space<vmem>>
    %dma_wait3A_226 = arith.constant 200 : i32
    %dma_wait3A_227 = tpu.memref_slice %arg5[%dma_wait3A_226] : memref<584xi32, #tpu.memory_space<vmem>> -> memref<40xi32, #tpu.memory_space<vmem>>
    %dma_wait3A_228 = arith.constant 0 : i32
    %dma_wait3A_229 = arith.constant 0 : i32
    %dma_wait3A_230 = tpu.memref_slice %arg2[%dma_wait3A_228, %dma_wait3A_229] : memref<36928x768xf32, #tpu.memory_space<hbm>> -> memref<36928x768xf32, #tpu.memory_space<hbm>>
    tpu.wait_indirect_dma semaphore(%arg11 : memref<!tpu.dma_semaphore, #tpu.memory_space<semaphore_mem>>) src(%dma_wait3A_230 : memref<36928x768xf32, #tpu.memory_space<hbm>>) dst(%dma_wait3A_225 : memref<40x768xf32, #tpu.memory_space<vmem>>)
    %add3A_231 = arith.constant 200 : i32
    %add3A_232 = arith.addi %mul3A_20, %add3A_231 : i32
    %dma_start3A_233 = arith.constant 0 : i32
    %dma_start3A_234 = arith.constant 0 : i32
    %dma_start3A_235 = tpu.memref_slice %arg7[%dma_start3A_233, %dma_start3A_234] : memref<40x768xf32, #tpu.memory_space<vmem>> -> memref<40x768xf32, #tpu.memory_space<vmem>>
    %dma_start3A_236 = arith.constant 0 : i32
    %dma_start3A_237 = tpu.memref_slice %arg4[%add3A_232, %dma_start3A_236] : memref<18496x768xf32, #tpu.memory_space<hbm>> -> memref<40x768xf32, #tpu.memory_space<hbm>>
    %dma_start3A_238 = arith.constant 0 : i32
    %dma_start3A_239 = tpu.memref_slice %arg4[%add3A_232, %dma_start3A_238] : memref<18496x768xf32, #tpu.memory_space<hbm>> -> memref<40x768xf32, #tpu.memory_space<hbm>>
    %dma_start3A_240 = arith.constant 0 : i32
    %dma_start3A_241 = arith.constant 0 : i32
    %dma_start3A_242 = tpu.memref_slice %arg7[%dma_start3A_240, %dma_start3A_241] : memref<40x768xf32, #tpu.memory_space<vmem>> -> memref<40x768xf32, #tpu.memory_space<vmem>>
    tpu.enqueue_dma source(%dma_start3A_242 : memref<40x768xf32, #tpu.memory_space<vmem>>) target(%dma_start3A_239 : memref<40x768xf32, #tpu.memory_space<hbm>>) target_semaphore(%arg15 : memref<!tpu.dma_semaphore, #tpu.memory_space<semaphore_mem>>)
    %dma_wait3A_243 = arith.constant 0 : i32
    %dma_wait3A_244 = arith.constant 0 : i32
    %dma_wait3A_245 = tpu.memref_slice %arg6[%dma_wait3A_243, %dma_wait3A_244] : memref<40x768xf32, #tpu.memory_space<vmem>> -> memref<40x768xf32, #tpu.memory_space<vmem>>
    %dma_wait3A_246 = arith.constant 0 : i32
    %dma_wait3A_247 = tpu.memref_slice %arg4[%add3A_194, %dma_wait3A_246] : memref<18496x768xf32, #tpu.memory_space<hbm>> -> memref<40x768xf32, #tpu.memory_space<hbm>>
    %dma_wait3A_248 = arith.constant 0 : i32
    %dma_wait3A_249 = tpu.memref_slice %arg4[%add3A_194, %dma_wait3A_248] : memref<18496x768xf32, #tpu.memory_space<hbm>> -> memref<40x768xf32, #tpu.memory_space<hbm>>
    %dma_wait3A_250 = arith.constant 0 : i32
    %dma_wait3A_251 = arith.constant 0 : i32
    %dma_wait3A_252 = tpu.memref_slice %arg6[%dma_wait3A_250, %dma_wait3A_251] : memref<40x768xf32, #tpu.memory_space<vmem>> -> memref<40x768xf32, #tpu.memory_space<vmem>>
    tpu.wait_dma2 semaphore(%arg14 : memref<!tpu.dma_semaphore, #tpu.memory_space<semaphore_mem>>) src(%dma_wait3A_252 : memref<40x768xf32, #tpu.memory_space<vmem>>) dst(%dma_wait3A_249 : memref<40x768xf32, #tpu.memory_space<hbm>>)
    %dma_start3A_253 = arith.constant 0 : i32
    %dma_start3A_254 = arith.constant 0 : i32
    %dma_start3A_255 = tpu.memref_slice %arg6[%dma_start3A_253, %dma_start3A_254] : memref<40x768xf32, #tpu.memory_space<vmem>> -> memref<40x768xf32, #tpu.memory_space<vmem>>
    %dma_start3A_256 = arith.constant 320 : i32
    %dma_start3A_257 = tpu.memref_slice %arg5[%dma_start3A_256] : memref<584xi32, #tpu.memory_space<vmem>> -> memref<40xi32, #tpu.memory_space<vmem>>
    %dma_start3A_258 = arith.constant 0 : i32
    %dma_start3A_259 = arith.constant 0 : i32
    %dma_start3A_260 = tpu.memref_slice %arg2[%dma_start3A_258, %dma_start3A_259] : memref<36928x768xf32, #tpu.memory_space<hbm>> -> memref<36928x768xf32, #tpu.memory_space<hbm>>
    tpu.enqueue_indirect_dma source(%dma_start3A_260 : memref<36928x768xf32, #tpu.memory_space<hbm>>) target(%dma_start3A_255 : memref<40x768xf32, #tpu.memory_space<vmem>>) offsets(%dma_start3A_257 : memref<40xi32, #tpu.memory_space<vmem>>) semaphore(%arg10 : memref<!tpu.dma_semaphore, #tpu.memory_space<semaphore_mem>>)
    %dma_wait3A_261 = arith.constant 0 : i32
    %dma_wait3A_262 = arith.constant 0 : i32
    %dma_wait3A_263 = tpu.memref_slice %arg8[%dma_wait3A_261, %dma_wait3A_262] : memref<40x768xf32, #tpu.memory_space<vmem>> -> memref<40x768xf32, #tpu.memory_space<vmem>>
    %dma_wait3A_264 = arith.constant 240 : i32
    %dma_wait3A_265 = tpu.memref_slice %arg5[%dma_wait3A_264] : memref<584xi32, #tpu.memory_space<vmem>> -> memref<40xi32, #tpu.memory_space<vmem>>
    %dma_wait3A_266 = arith.constant 0 : i32
    %dma_wait3A_267 = arith.constant 0 : i32
    %dma_wait3A_268 = tpu.memref_slice %arg2[%dma_wait3A_266, %dma_wait3A_267] : memref<36928x768xf32, #tpu.memory_space<hbm>> -> memref<36928x768xf32, #tpu.memory_space<hbm>>
    tpu.wait_indirect_dma semaphore(%arg12 : memref<!tpu.dma_semaphore, #tpu.memory_space<semaphore_mem>>) src(%dma_wait3A_268 : memref<36928x768xf32, #tpu.memory_space<hbm>>) dst(%dma_wait3A_263 : memref<40x768xf32, #tpu.memory_space<vmem>>)
    %add3A_269 = arith.constant 240 : i32
    %add3A_270 = arith.addi %mul3A_20, %add3A_269 : i32
    %dma_start3A_271 = arith.constant 0 : i32
    %dma_start3A_272 = arith.constant 0 : i32
    %dma_start3A_273 = tpu.memref_slice %arg8[%dma_start3A_271, %dma_start3A_272] : memref<40x768xf32, #tpu.memory_space<vmem>> -> memref<40x768xf32, #tpu.memory_space<vmem>>
    %dma_start3A_274 = arith.constant 0 : i32
    %dma_start3A_275 = tpu.memref_slice %arg4[%add3A_270, %dma_start3A_274] : memref<18496x768xf32, #tpu.memory_space<hbm>> -> memref<40x768xf32, #tpu.memory_space<hbm>>
    %dma_start3A_276 = arith.constant 0 : i32
    %dma_start3A_277 = tpu.memref_slice %arg4[%add3A_270, %dma_start3A_276] : memref<18496x768xf32, #tpu.memory_space<hbm>> -> memref<40x768xf32, #tpu.memory_space<hbm>>
    %dma_start3A_278 = arith.constant 0 : i32
    %dma_start3A_279 = arith.constant 0 : i32
    %dma_start3A_280 = tpu.memref_slice %arg8[%dma_start3A_278, %dma_start3A_279] : memref<40x768xf32, #tpu.memory_space<vmem>> -> memref<40x768xf32, #tpu.memory_space<vmem>>
    tpu.enqueue_dma source(%dma_start3A_280 : memref<40x768xf32, #tpu.memory_space<vmem>>) target(%dma_start3A_277 : memref<40x768xf32, #tpu.memory_space<hbm>>) target_semaphore(%arg16 : memref<!tpu.dma_semaphore, #tpu.memory_space<semaphore_mem>>)
    %dma_wait3A_281 = arith.constant 0 : i32
    %dma_wait3A_282 = arith.constant 0 : i32
    %dma_wait3A_283 = tpu.memref_slice %arg7[%dma_wait3A_281, %dma_wait3A_282] : memref<40x768xf32, #tpu.memory_space<vmem>> -> memref<40x768xf32, #tpu.memory_space<vmem>>
    %dma_wait3A_284 = arith.constant 0 : i32
    %dma_wait3A_285 = tpu.memref_slice %arg4[%add3A_232, %dma_wait3A_284] : memref<18496x768xf32, #tpu.memory_space<hbm>> -> memref<40x768xf32, #tpu.memory_space<hbm>>
    %dma_wait3A_286 = arith.constant 0 : i32
    %dma_wait3A_287 = tpu.memref_slice %arg4[%add3A_232, %dma_wait3A_286] : memref<18496x768xf32, #tpu.memory_space<hbm>> -> memref<40x768xf32, #tpu.memory_space<hbm>>
    %dma_wait3A_288 = arith.constant 0 : i32
    %dma_wait3A_289 = arith.constant 0 : i32
    %dma_wait3A_290 = tpu.memref_slice %arg7[%dma_wait3A_288, %dma_wait3A_289] : memref<40x768xf32, #tpu.memory_space<vmem>> -> memref<40x768xf32, #tpu.memory_space<vmem>>
    tpu.wait_dma2 semaphore(%arg15 : memref<!tpu.dma_semaphore, #tpu.memory_space<semaphore_mem>>) src(%dma_wait3A_290 : memref<40x768xf32, #tpu.memory_space<vmem>>) dst(%dma_wait3A_287 : memref<40x768xf32, #tpu.memory_space<hbm>>)
    %dma_start3A_291 = arith.constant 0 : i32
    %dma_start3A_292 = arith.constant 0 : i32
    %dma_start3A_293 = tpu.memref_slice %arg7[%dma_start3A_291, %dma_start3A_292] : memref<40x768xf32, #tpu.memory_space<vmem>> -> memref<40x768xf32, #tpu.memory_space<vmem>>
    %dma_start3A_294 = arith.constant 360 : i32
    %dma_start3A_295 = tpu.memref_slice %arg5[%dma_start3A_294] : memref<584xi32, #tpu.memory_space<vmem>> -> memref<40xi32, #tpu.memory_space<vmem>>
    %dma_start3A_296 = arith.constant 0 : i32
    %dma_start3A_297 = arith.constant 0 : i32
    %dma_start3A_298 = tpu.memref_slice %arg2[%dma_start3A_296, %dma_start3A_297] : memref<36928x768xf32, #tpu.memory_space<hbm>> -> memref<36928x768xf32, #tpu.memory_space<hbm>>
    tpu.enqueue_indirect_dma source(%dma_start3A_298 : memref<36928x768xf32, #tpu.memory_space<hbm>>) target(%dma_start3A_293 : memref<40x768xf32, #tpu.memory_space<vmem>>) offsets(%dma_start3A_295 : memref<40xi32, #tpu.memory_space<vmem>>) semaphore(%arg11 : memref<!tpu.dma_semaphore, #tpu.memory_space<semaphore_mem>>)
    %dma_wait3A_299 = arith.constant 0 : i32
    %dma_wait3A_300 = arith.constant 0 : i32
    %dma_wait3A_301 = tpu.memref_slice %arg9[%dma_wait3A_299, %dma_wait3A_300] : memref<40x768xf32, #tpu.memory_space<vmem>> -> memref<40x768xf32, #tpu.memory_space<vmem>>
    %dma_wait3A_302 = arith.constant 280 : i32
    %dma_wait3A_303 = tpu.memref_slice %arg5[%dma_wait3A_302] : memref<584xi32, #tpu.memory_space<vmem>> -> memref<40xi32, #tpu.memory_space<vmem>>
    %dma_wait3A_304 = arith.constant 0 : i32
    %dma_wait3A_305 = arith.constant 0 : i32
    %dma_wait3A_306 = tpu.memref_slice %arg2[%dma_wait3A_304, %dma_wait3A_305] : memref<36928x768xf32, #tpu.memory_space<hbm>> -> memref<36928x768xf32, #tpu.memory_space<hbm>>
    tpu.wait_indirect_dma semaphore(%arg13 : memref<!tpu.dma_semaphore, #tpu.memory_space<semaphore_mem>>) src(%dma_wait3A_306 : memref<36928x768xf32, #tpu.memory_space<hbm>>) dst(%dma_wait3A_301 : memref<40x768xf32, #tpu.memory_space<vmem>>)
    %add3A_307 = arith.constant 280 : i32
    %add3A_308 = arith.addi %mul3A_20, %add3A_307 : i32
    %dma_start3A_309 = arith.constant 0 : i32
    %dma_start3A_310 = arith.constant 0 : i32
    %dma_start3A_311 = tpu.memref_slice %arg9[%dma_start3A_309, %dma_start3A_310] : memref<40x768xf32, #tpu.memory_space<vmem>> -> memref<40x768xf32, #tpu.memory_space<vmem>>
    %dma_start3A_312 = arith.constant 0 : i32
    %dma_start3A_313 = tpu.memref_slice %arg4[%add3A_308, %dma_start3A_312] : memref<18496x768xf32, #tpu.memory_space<hbm>> -> memref<40x768xf32, #tpu.memory_space<hbm>>
    %dma_start3A_314 = arith.constant 0 : i32
    %dma_start3A_315 = tpu.memref_slice %arg4[%add3A_308, %dma_start3A_314] : memref<18496x768xf32, #tpu.memory_space<hbm>> -> memref<40x768xf32, #tpu.memory_space<hbm>>
    %dma_start3A_316 = arith.constant 0 : i32
    %dma_start3A_317 = arith.constant 0 : i32
    %dma_start3A_318 = tpu.memref_slice %arg9[%dma_start3A_316, %dma_start3A_317] : memref<40x768xf32, #tpu.memory_space<vmem>> -> memref<40x768xf32, #tpu.memory_space<vmem>>
    tpu.enqueue_dma source(%dma_start3A_318 : memref<40x768xf32, #tpu.memory_space<vmem>>) target(%dma_start3A_315 : memref<40x768xf32, #tpu.memory_space<hbm>>) target_semaphore(%arg17 : memref<!tpu.dma_semaphore, #tpu.memory_space<semaphore_mem>>)
    %dma_wait3A_319 = arith.constant 0 : i32
    %dma_wait3A_320 = arith.constant 0 : i32
    %dma_wait3A_321 = tpu.memref_slice %arg8[%dma_wait3A_319, %dma_wait3A_320] : memref<40x768xf32, #tpu.memory_space<vmem>> -> memref<40x768xf32, #tpu.memory_space<vmem>>
    %dma_wait3A_322 = arith.constant 0 : i32
    %dma_wait3A_323 = tpu.memref_slice %arg4[%add3A_270, %dma_wait3A_322] : memref<18496x768xf32, #tpu.memory_space<hbm>> -> memref<40x768xf32, #tpu.memory_space<hbm>>
    %dma_wait3A_324 = arith.constant 0 : i32
    %dma_wait3A_325 = tpu.memref_slice %arg4[%add3A_270, %dma_wait3A_324] : memref<18496x768xf32, #tpu.memory_space<hbm>> -> memref<40x768xf32, #tpu.memory_space<hbm>>
    %dma_wait3A_326 = arith.constant 0 : i32
    %dma_wait3A_327 = arith.constant 0 : i32
    %dma_wait3A_328 = tpu.memref_slice %arg8[%dma_wait3A_326, %dma_wait3A_327] : memref<40x768xf32, #tpu.memory_space<vmem>> -> memref<40x768xf32, #tpu.memory_space<vmem>>
    tpu.wait_dma2 semaphore(%arg16 : memref<!tpu.dma_semaphore, #tpu.memory_space<semaphore_mem>>) src(%dma_wait3A_328 : memref<40x768xf32, #tpu.memory_space<vmem>>) dst(%dma_wait3A_325 : memref<40x768xf32, #tpu.memory_space<hbm>>)
    %dma_start3A_329 = arith.constant 0 : i32
    %dma_start3A_330 = arith.constant 0 : i32
    %dma_start3A_331 = tpu.memref_slice %arg8[%dma_start3A_329, %dma_start3A_330] : memref<40x768xf32, #tpu.memory_space<vmem>> -> memref<40x768xf32, #tpu.memory_space<vmem>>
    %dma_start3A_332 = arith.constant 400 : i32
    %dma_start3A_333 = tpu.memref_slice %arg5[%dma_start3A_332] : memref<584xi32, #tpu.memory_space<vmem>> -> memref<40xi32, #tpu.memory_space<vmem>>
    %dma_start3A_334 = arith.constant 0 : i32
    %dma_start3A_335 = arith.constant 0 : i32
    %dma_start3A_336 = tpu.memref_slice %arg2[%dma_start3A_334, %dma_start3A_335] : memref<36928x768xf32, #tpu.memory_space<hbm>> -> memref<36928x768xf32, #tpu.memory_space<hbm>>
    tpu.enqueue_indirect_dma source(%dma_start3A_336 : memref<36928x768xf32, #tpu.memory_space<hbm>>) target(%dma_start3A_331 : memref<40x768xf32, #tpu.memory_space<vmem>>) offsets(%dma_start3A_333 : memref<40xi32, #tpu.memory_space<vmem>>) semaphore(%arg12 : memref<!tpu.dma_semaphore, #tpu.memory_space<semaphore_mem>>)
    %dma_wait3A_337 = arith.constant 0 : i32
    %dma_wait3A_338 = arith.constant 0 : i32
    %dma_wait3A_339 = tpu.memref_slice %arg6[%dma_wait3A_337, %dma_wait3A_338] : memref<40x768xf32, #tpu.memory_space<vmem>> -> memref<40x768xf32, #tpu.memory_space<vmem>>
    %dma_wait3A_340 = arith.constant 320 : i32
    %dma_wait3A_341 = tpu.memref_slice %arg5[%dma_wait3A_340] : memref<584xi32, #tpu.memory_space<vmem>> -> memref<40xi32, #tpu.memory_space<vmem>>
    %dma_wait3A_342 = arith.constant 0 : i32
    %dma_wait3A_343 = arith.constant 0 : i32
    %dma_wait3A_344 = tpu.memref_slice %arg2[%dma_wait3A_342, %dma_wait3A_343] : memref<36928x768xf32, #tpu.memory_space<hbm>> -> memref<36928x768xf32, #tpu.memory_space<hbm>>
    tpu.wait_indirect_dma semaphore(%arg10 : memref<!tpu.dma_semaphore, #tpu.memory_space<semaphore_mem>>) src(%dma_wait3A_344 : memref<36928x768xf32, #tpu.memory_space<hbm>>) dst(%dma_wait3A_339 : memref<40x768xf32, #tpu.memory_space<vmem>>)
    %add3A_345 = arith.constant 320 : i32
    %add3A_346 = arith.addi %mul3A_20, %add3A_345 : i32
    %dma_start3A_347 = arith.constant 0 : i32
    %dma_start3A_348 = arith.constant 0 : i32
    %dma_start3A_349 = tpu.memref_slice %arg6[%dma_start3A_347, %dma_start3A_348] : memref<40x768xf32, #tpu.memory_space<vmem>> -> memref<40x768xf32, #tpu.memory_space<vmem>>
    %dma_start3A_350 = arith.constant 0 : i32
    %dma_start3A_351 = tpu.memref_slice %arg4[%add3A_346, %dma_start3A_350] : memref<18496x768xf32, #tpu.memory_space<hbm>> -> memref<40x768xf32, #tpu.memory_space<hbm>>
    %dma_start3A_352 = arith.constant 0 : i32
    %dma_start3A_353 = tpu.memref_slice %arg4[%add3A_346, %dma_start3A_352] : memref<18496x768xf32, #tpu.memory_space<hbm>> -> memref<40x768xf32, #tpu.memory_space<hbm>>
    %dma_start3A_354 = arith.constant 0 : i32
    %dma_start3A_355 = arith.constant 0 : i32
    %dma_start3A_356 = tpu.memref_slice %arg6[%dma_start3A_354, %dma_start3A_355] : memref<40x768xf32, #tpu.memory_space<vmem>> -> memref<40x768xf32, #tpu.memory_space<vmem>>
    tpu.enqueue_dma source(%dma_start3A_356 : memref<40x768xf32, #tpu.memory_space<vmem>>) target(%dma_start3A_353 : memref<40x768xf32, #tpu.memory_space<hbm>>) target_semaphore(%arg14 : memref<!tpu.dma_semaphore, #tpu.memory_space<semaphore_mem>>)
    %dma_wait3A_357 = arith.constant 0 : i32
    %dma_wait3A_358 = arith.constant 0 : i32
    %dma_wait3A_359 = tpu.memref_slice %arg9[%dma_wait3A_357, %dma_wait3A_358] : memref<40x768xf32, #tpu.memory_space<vmem>> -> memref<40x768xf32, #tpu.memory_space<vmem>>
    %dma_wait3A_360 = arith.constant 0 : i32
    %dma_wait3A_361 = tpu.memref_slice %arg4[%add3A_308, %dma_wait3A_360] : memref<18496x768xf32, #tpu.memory_space<hbm>> -> memref<40x768xf32, #tpu.memory_space<hbm>>
    %dma_wait3A_362 = arith.constant 0 : i32
    %dma_wait3A_363 = tpu.memref_slice %arg4[%add3A_308, %dma_wait3A_362] : memref<18496x768xf32, #tpu.memory_space<hbm>> -> memref<40x768xf32, #tpu.memory_space<hbm>>
    %dma_wait3A_364 = arith.constant 0 : i32
    %dma_wait3A_365 = arith.constant 0 : i32
    %dma_wait3A_366 = tpu.memref_slice %arg9[%dma_wait3A_364, %dma_wait3A_365] : memref<40x768xf32, #tpu.memory_space<vmem>> -> memref<40x768xf32, #tpu.memory_space<vmem>>
    tpu.wait_dma2 semaphore(%arg17 : memref<!tpu.dma_semaphore, #tpu.memory_space<semaphore_mem>>) src(%dma_wait3A_366 : memref<40x768xf32, #tpu.memory_space<vmem>>) dst(%dma_wait3A_363 : memref<40x768xf32, #tpu.memory_space<hbm>>)
    %dma_start3A_367 = arith.constant 0 : i32
    %dma_start3A_368 = arith.constant 0 : i32
    %dma_start3A_369 = tpu.memref_slice %arg9[%dma_start3A_367, %dma_start3A_368] : memref<40x768xf32, #tpu.memory_space<vmem>> -> memref<40x768xf32, #tpu.memory_space<vmem>>
    %dma_start3A_370 = arith.constant 440 : i32
    %dma_start3A_371 = tpu.memref_slice %arg5[%dma_start3A_370] : memref<584xi32, #tpu.memory_space<vmem>> -> memref<40xi32, #tpu.memory_space<vmem>>
    %dma_start3A_372 = arith.constant 0 : i32
    %dma_start3A_373 = arith.constant 0 : i32
    %dma_start3A_374 = tpu.memref_slice %arg2[%dma_start3A_372, %dma_start3A_373] : memref<36928x768xf32, #tpu.memory_space<hbm>> -> memref<36928x768xf32, #tpu.memory_space<hbm>>
    tpu.enqueue_indirect_dma source(%dma_start3A_374 : memref<36928x768xf32, #tpu.memory_space<hbm>>) target(%dma_start3A_369 : memref<40x768xf32, #tpu.memory_space<vmem>>) offsets(%dma_start3A_371 : memref<40xi32, #tpu.memory_space<vmem>>) semaphore(%arg13 : memref<!tpu.dma_semaphore, #tpu.memory_space<semaphore_mem>>)
    %dma_wait3A_375 = arith.constant 0 : i32
    %dma_wait3A_376 = arith.constant 0 : i32
    %dma_wait3A_377 = tpu.memref_slice %arg7[%dma_wait3A_375, %dma_wait3A_376] : memref<40x768xf32, #tpu.memory_space<vmem>> -> memref<40x768xf32, #tpu.memory_space<vmem>>
    %dma_wait3A_378 = arith.constant 360 : i32
    %dma_wait3A_379 = tpu.memref_slice %arg5[%dma_wait3A_378] : memref<584xi32, #tpu.memory_space<vmem>> -> memref<40xi32, #tpu.memory_space<vmem>>
    %dma_wait3A_380 = arith.constant 0 : i32
    %dma_wait3A_381 = arith.constant 0 : i32
    %dma_wait3A_382 = tpu.memref_slice %arg2[%dma_wait3A_380, %dma_wait3A_381] : memref<36928x768xf32, #tpu.memory_space<hbm>> -> memref<36928x768xf32, #tpu.memory_space<hbm>>
    tpu.wait_indirect_dma semaphore(%arg11 : memref<!tpu.dma_semaphore, #tpu.memory_space<semaphore_mem>>) src(%dma_wait3A_382 : memref<36928x768xf32, #tpu.memory_space<hbm>>) dst(%dma_wait3A_377 : memref<40x768xf32, #tpu.memory_space<vmem>>)
    %add3A_383 = arith.constant 360 : i32
    %add3A_384 = arith.addi %mul3A_20, %add3A_383 : i32
    %dma_start3A_385 = arith.constant 0 : i32
    %dma_start3A_386 = arith.constant 0 : i32
    %dma_start3A_387 = tpu.memref_slice %arg7[%dma_start3A_385, %dma_start3A_386] : memref<40x768xf32, #tpu.memory_space<vmem>> -> memref<40x768xf32, #tpu.memory_space<vmem>>
    %dma_start3A_388 = arith.constant 0 : i32
    %dma_start3A_389 = tpu.memref_slice %arg4[%add3A_384, %dma_start3A_388] : memref<18496x768xf32, #tpu.memory_space<hbm>> -> memref<40x768xf32, #tpu.memory_space<hbm>>
    %dma_start3A_390 = arith.constant 0 : i32
    %dma_start3A_391 = tpu.memref_slice %arg4[%add3A_384, %dma_start3A_390] : memref<18496x768xf32, #tpu.memory_space<hbm>> -> memref<40x768xf32, #tpu.memory_space<hbm>>
    %dma_start3A_392 = arith.constant 0 : i32
    %dma_start3A_393 = arith.constant 0 : i32
    %dma_start3A_394 = tpu.memref_slice %arg7[%dma_start3A_392, %dma_start3A_393] : memref<40x768xf32, #tpu.memory_space<vmem>> -> memref<40x768xf32, #tpu.memory_space<vmem>>
    tpu.enqueue_dma source(%dma_start3A_394 : memref<40x768xf32, #tpu.memory_space<vmem>>) target(%dma_start3A_391 : memref<40x768xf32, #tpu.memory_space<hbm>>) target_semaphore(%arg15 : memref<!tpu.dma_semaphore, #tpu.memory_space<semaphore_mem>>)
    %dma_wait3A_395 = arith.constant 0 : i32
    %dma_wait3A_396 = arith.constant 0 : i32
    %dma_wait3A_397 = tpu.memref_slice %arg6[%dma_wait3A_395, %dma_wait3A_396] : memref<40x768xf32, #tpu.memory_space<vmem>> -> memref<40x768xf32, #tpu.memory_space<vmem>>
    %dma_wait3A_398 = arith.constant 0 : i32
    %dma_wait3A_399 = tpu.memref_slice %arg4[%add3A_346, %dma_wait3A_398] : memref<18496x768xf32, #tpu.memory_space<hbm>> -> memref<40x768xf32, #tpu.memory_space<hbm>>
    %dma_wait3A_400 = arith.constant 0 : i32
    %dma_wait3A_401 = tpu.memref_slice %arg4[%add3A_346, %dma_wait3A_400] : memref<18496x768xf32, #tpu.memory_space<hbm>> -> memref<40x768xf32, #tpu.memory_space<hbm>>
    %dma_wait3A_402 = arith.constant 0 : i32
    %dma_wait3A_403 = arith.constant 0 : i32
    %dma_wait3A_404 = tpu.memref_slice %arg6[%dma_wait3A_402, %dma_wait3A_403] : memref<40x768xf32, #tpu.memory_space<vmem>> -> memref<40x768xf32, #tpu.memory_space<vmem>>
    tpu.wait_dma2 semaphore(%arg14 : memref<!tpu.dma_semaphore, #tpu.memory_space<semaphore_mem>>) src(%dma_wait3A_404 : memref<40x768xf32, #tpu.memory_space<vmem>>) dst(%dma_wait3A_401 : memref<40x768xf32, #tpu.memory_space<hbm>>)
    %dma_start3A_405 = arith.constant 0 : i32
    %dma_start3A_406 = arith.constant 0 : i32
    %dma_start3A_407 = tpu.memref_slice %arg6[%dma_start3A_405, %dma_start3A_406] : memref<40x768xf32, #tpu.memory_space<vmem>> -> memref<40x768xf32, #tpu.memory_space<vmem>>
    %dma_start3A_408 = arith.constant 480 : i32
    %dma_start3A_409 = tpu.memref_slice %arg5[%dma_start3A_408] : memref<584xi32, #tpu.memory_space<vmem>> -> memref<40xi32, #tpu.memory_space<vmem>>
    %dma_start3A_410 = arith.constant 0 : i32
    %dma_start3A_411 = arith.constant 0 : i32
    %dma_start3A_412 = tpu.memref_slice %arg2[%dma_start3A_410, %dma_start3A_411] : memref<36928x768xf32, #tpu.memory_space<hbm>> -> memref<36928x768xf32, #tpu.memory_space<hbm>>
    tpu.enqueue_indirect_dma source(%dma_start3A_412 : memref<36928x768xf32, #tpu.memory_space<hbm>>) target(%dma_start3A_407 : memref<40x768xf32, #tpu.memory_space<vmem>>) offsets(%dma_start3A_409 : memref<40xi32, #tpu.memory_space<vmem>>) semaphore(%arg10 : memref<!tpu.dma_semaphore, #tpu.memory_space<semaphore_mem>>)
    %dma_wait3A_413 = arith.constant 0 : i32
    %dma_wait3A_414 = arith.constant 0 : i32
    %dma_wait3A_415 = tpu.memref_slice %arg8[%dma_wait3A_413, %dma_wait3A_414] : memref<40x768xf32, #tpu.memory_space<vmem>> -> memref<40x768xf32, #tpu.memory_space<vmem>>
    %dma_wait3A_416 = arith.constant 400 : i32
    %dma_wait3A_417 = tpu.memref_slice %arg5[%dma_wait3A_416] : memref<584xi32, #tpu.memory_space<vmem>> -> memref<40xi32, #tpu.memory_space<vmem>>
    %dma_wait3A_418 = arith.constant 0 : i32
    %dma_wait3A_419 = arith.constant 0 : i32
    %dma_wait3A_420 = tpu.memref_slice %arg2[%dma_wait3A_418, %dma_wait3A_419] : memref<36928x768xf32, #tpu.memory_space<hbm>> -> memref<36928x768xf32, #tpu.memory_space<hbm>>
    tpu.wait_indirect_dma semaphore(%arg12 : memref<!tpu.dma_semaphore, #tpu.memory_space<semaphore_mem>>) src(%dma_wait3A_420 : memref<36928x768xf32, #tpu.memory_space<hbm>>) dst(%dma_wait3A_415 : memref<40x768xf32, #tpu.memory_space<vmem>>)
    %add3A_421 = arith.constant 400 : i32
    %add3A_422 = arith.addi %mul3A_20, %add3A_421 : i32
    %dma_start3A_423 = arith.constant 0 : i32
    %dma_start3A_424 = arith.constant 0 : i32
    %dma_start3A_425 = tpu.memref_slice %arg8[%dma_start3A_423, %dma_start3A_424] : memref<40x768xf32, #tpu.memory_space<vmem>> -> memref<40x768xf32, #tpu.memory_space<vmem>>
    %dma_start3A_426 = arith.constant 0 : i32
    %dma_start3A_427 = tpu.memref_slice %arg4[%add3A_422, %dma_start3A_426] : memref<18496x768xf32, #tpu.memory_space<hbm>> -> memref<40x768xf32, #tpu.memory_space<hbm>>
    %dma_start3A_428 = arith.constant 0 : i32
    %dma_start3A_429 = tpu.memref_slice %arg4[%add3A_422, %dma_start3A_428] : memref<18496x768xf32, #tpu.memory_space<hbm>> -> memref<40x768xf32, #tpu.memory_space<hbm>>
    %dma_start3A_430 = arith.constant 0 : i32
    %dma_start3A_431 = arith.constant 0 : i32
    %dma_start3A_432 = tpu.memref_slice %arg8[%dma_start3A_430, %dma_start3A_431] : memref<40x768xf32, #tpu.memory_space<vmem>> -> memref<40x768xf32, #tpu.memory_space<vmem>>
    tpu.enqueue_dma source(%dma_start3A_432 : memref<40x768xf32, #tpu.memory_space<vmem>>) target(%dma_start3A_429 : memref<40x768xf32, #tpu.memory_space<hbm>>) target_semaphore(%arg16 : memref<!tpu.dma_semaphore, #tpu.memory_space<semaphore_mem>>)
    %dma_wait3A_433 = arith.constant 0 : i32
    %dma_wait3A_434 = arith.constant 0 : i32
    %dma_wait3A_435 = tpu.memref_slice %arg7[%dma_wait3A_433, %dma_wait3A_434] : memref<40x768xf32, #tpu.memory_space<vmem>> -> memref<40x768xf32, #tpu.memory_space<vmem>>
    %dma_wait3A_436 = arith.constant 0 : i32
    %dma_wait3A_437 = tpu.memref_slice %arg4[%add3A_384, %dma_wait3A_436] : memref<18496x768xf32, #tpu.memory_space<hbm>> -> memref<40x768xf32, #tpu.memory_space<hbm>>
    %dma_wait3A_438 = arith.constant 0 : i32
    %dma_wait3A_439 = tpu.memref_slice %arg4[%add3A_384, %dma_wait3A_438] : memref<18496x768xf32, #tpu.memory_space<hbm>> -> memref<40x768xf32, #tpu.memory_space<hbm>>
    %dma_wait3A_440 = arith.constant 0 : i32
    %dma_wait3A_441 = arith.constant 0 : i32
    %dma_wait3A_442 = tpu.memref_slice %arg7[%dma_wait3A_440, %dma_wait3A_441] : memref<40x768xf32, #tpu.memory_space<vmem>> -> memref<40x768xf32, #tpu.memory_space<vmem>>
    tpu.wait_dma2 semaphore(%arg15 : memref<!tpu.dma_semaphore, #tpu.memory_space<semaphore_mem>>) src(%dma_wait3A_442 : memref<40x768xf32, #tpu.memory_space<vmem>>) dst(%dma_wait3A_439 : memref<40x768xf32, #tpu.memory_space<hbm>>)
    %dma_start3A_443 = arith.constant 0 : i32
    %dma_start3A_444 = arith.constant 0 : i32
    %dma_start3A_445 = tpu.memref_slice %arg7[%dma_start3A_443, %dma_start3A_444] : memref<40x768xf32, #tpu.memory_space<vmem>> -> memref<40x768xf32, #tpu.memory_space<vmem>>
    %dma_start3A_446 = arith.constant 520 : i32
    %dma_start3A_447 = tpu.memref_slice %arg5[%dma_start3A_446] : memref<584xi32, #tpu.memory_space<vmem>> -> memref<40xi32, #tpu.memory_space<vmem>>
    %dma_start3A_448 = arith.constant 0 : i32
    %dma_start3A_449 = arith.constant 0 : i32
    %dma_start3A_450 = tpu.memref_slice %arg2[%dma_start3A_448, %dma_start3A_449] : memref<36928x768xf32, #tpu.memory_space<hbm>> -> memref<36928x768xf32, #tpu.memory_space<hbm>>
    tpu.enqueue_indirect_dma source(%dma_start3A_450 : memref<36928x768xf32, #tpu.memory_space<hbm>>) target(%dma_start3A_445 : memref<40x768xf32, #tpu.memory_space<vmem>>) offsets(%dma_start3A_447 : memref<40xi32, #tpu.memory_space<vmem>>) semaphore(%arg11 : memref<!tpu.dma_semaphore, #tpu.memory_space<semaphore_mem>>)
    %dma_wait3A_451 = arith.constant 0 : i32
    %dma_wait3A_452 = arith.constant 0 : i32
    %dma_wait3A_453 = tpu.memref_slice %arg9[%dma_wait3A_451, %dma_wait3A_452] : memref<40x768xf32, #tpu.memory_space<vmem>> -> memref<40x768xf32, #tpu.memory_space<vmem>>
    %dma_wait3A_454 = arith.constant 440 : i32
    %dma_wait3A_455 = tpu.memref_slice %arg5[%dma_wait3A_454] : memref<584xi32, #tpu.memory_space<vmem>> -> memref<40xi32, #tpu.memory_space<vmem>>
    %dma_wait3A_456 = arith.constant 0 : i32
    %dma_wait3A_457 = arith.constant 0 : i32
    %dma_wait3A_458 = tpu.memref_slice %arg2[%dma_wait3A_456, %dma_wait3A_457] : memref<36928x768xf32, #tpu.memory_space<hbm>> -> memref<36928x768xf32, #tpu.memory_space<hbm>>
    tpu.wait_indirect_dma semaphore(%arg13 : memref<!tpu.dma_semaphore, #tpu.memory_space<semaphore_mem>>) src(%dma_wait3A_458 : memref<36928x768xf32, #tpu.memory_space<hbm>>) dst(%dma_wait3A_453 : memref<40x768xf32, #tpu.memory_space<vmem>>)
    %add3A_459 = arith.constant 440 : i32
    %add3A_460 = arith.addi %mul3A_20, %add3A_459 : i32
    %dma_start3A_461 = arith.constant 0 : i32
    %dma_start3A_462 = arith.constant 0 : i32
    %dma_start3A_463 = tpu.memref_slice %arg9[%dma_start3A_461, %dma_start3A_462] : memref<40x768xf32, #tpu.memory_space<vmem>> -> memref<40x768xf32, #tpu.memory_space<vmem>>
    %dma_start3A_464 = arith.constant 0 : i32
    %dma_start3A_465 = tpu.memref_slice %arg4[%add3A_460, %dma_start3A_464] : memref<18496x768xf32, #tpu.memory_space<hbm>> -> memref<40x768xf32, #tpu.memory_space<hbm>>
    %dma_start3A_466 = arith.constant 0 : i32
    %dma_start3A_467 = tpu.memref_slice %arg4[%add3A_460, %dma_start3A_466] : memref<18496x768xf32, #tpu.memory_space<hbm>> -> memref<40x768xf32, #tpu.memory_space<hbm>>
    %dma_start3A_468 = arith.constant 0 : i32
    %dma_start3A_469 = arith.constant 0 : i32
    %dma_start3A_470 = tpu.memref_slice %arg9[%dma_start3A_468, %dma_start3A_469] : memref<40x768xf32, #tpu.memory_space<vmem>> -> memref<40x768xf32, #tpu.memory_space<vmem>>
    tpu.enqueue_dma source(%dma_start3A_470 : memref<40x768xf32, #tpu.memory_space<vmem>>) target(%dma_start3A_467 : memref<40x768xf32, #tpu.memory_space<hbm>>) target_semaphore(%arg17 : memref<!tpu.dma_semaphore, #tpu.memory_space<semaphore_mem>>)
    %dma_wait3A_471 = arith.constant 0 : i32
    %dma_wait3A_472 = arith.constant 0 : i32
    %dma_wait3A_473 = tpu.memref_slice %arg8[%dma_wait3A_471, %dma_wait3A_472] : memref<40x768xf32, #tpu.memory_space<vmem>> -> memref<40x768xf32, #tpu.memory_space<vmem>>
    %dma_wait3A_474 = arith.constant 0 : i32
    %dma_wait3A_475 = tpu.memref_slice %arg4[%add3A_422, %dma_wait3A_474] : memref<18496x768xf32, #tpu.memory_space<hbm>> -> memref<40x768xf32, #tpu.memory_space<hbm>>
    %dma_wait3A_476 = arith.constant 0 : i32
    %dma_wait3A_477 = tpu.memref_slice %arg4[%add3A_422, %dma_wait3A_476] : memref<18496x768xf32, #tpu.memory_space<hbm>> -> memref<40x768xf32, #tpu.memory_space<hbm>>
    %dma_wait3A_478 = arith.constant 0 : i32
    %dma_wait3A_479 = arith.constant 0 : i32
    %dma_wait3A_480 = tpu.memref_slice %arg8[%dma_wait3A_478, %dma_wait3A_479] : memref<40x768xf32, #tpu.memory_space<vmem>> -> memref<40x768xf32, #tpu.memory_space<vmem>>
    tpu.wait_dma2 semaphore(%arg16 : memref<!tpu.dma_semaphore, #tpu.memory_space<semaphore_mem>>) src(%dma_wait3A_480 : memref<40x768xf32, #tpu.memory_space<vmem>>) dst(%dma_wait3A_477 : memref<40x768xf32, #tpu.memory_space<hbm>>)
    %dma_start3A_481 = arith.constant 0 : i32
    %dma_start3A_482 = arith.constant 0 : i32
    %dma_start3A_483 = tpu.memref_slice %arg8[%dma_start3A_481, %dma_start3A_482] : memref<40x768xf32, #tpu.memory_space<vmem>> -> memref<24x768xf32, #tpu.memory_space<vmem>>
    %dma_start3A_484 = arith.constant 560 : i32
    %dma_start3A_485 = tpu.memref_slice %arg5[%dma_start3A_484] : memref<584xi32, #tpu.memory_space<vmem>> -> memref<24xi32, #tpu.memory_space<vmem>>
    %dma_start3A_486 = arith.constant 0 : i32
    %dma_start3A_487 = arith.constant 0 : i32
    %dma_start3A_488 = tpu.memref_slice %arg2[%dma_start3A_486, %dma_start3A_487] : memref<36928x768xf32, #tpu.memory_space<hbm>> -> memref<36928x768xf32, #tpu.memory_space<hbm>>
    tpu.enqueue_indirect_dma source(%dma_start3A_488 : memref<36928x768xf32, #tpu.memory_space<hbm>>) target(%dma_start3A_483 : memref<24x768xf32, #tpu.memory_space<vmem>>) offsets(%dma_start3A_485 : memref<24xi32, #tpu.memory_space<vmem>>) semaphore(%arg12 : memref<!tpu.dma_semaphore, #tpu.memory_space<semaphore_mem>>)
    %dma_wait3A_489 = arith.constant 0 : i32
    %dma_wait3A_490 = arith.constant 0 : i32
    %dma_wait3A_491 = tpu.memref_slice %arg6[%dma_wait3A_489, %dma_wait3A_490] : memref<40x768xf32, #tpu.memory_space<vmem>> -> memref<40x768xf32, #tpu.memory_space<vmem>>
    %dma_wait3A_492 = arith.constant 480 : i32
    %dma_wait3A_493 = tpu.memref_slice %arg5[%dma_wait3A_492] : memref<584xi32, #tpu.memory_space<vmem>> -> memref<40xi32, #tpu.memory_space<vmem>>
    %dma_wait3A_494 = arith.constant 0 : i32
    %dma_wait3A_495 = arith.constant 0 : i32
    %dma_wait3A_496 = tpu.memref_slice %arg2[%dma_wait3A_494, %dma_wait3A_495] : memref<36928x768xf32, #tpu.memory_space<hbm>> -> memref<36928x768xf32, #tpu.memory_space<hbm>>
    tpu.wait_indirect_dma semaphore(%arg10 : memref<!tpu.dma_semaphore, #tpu.memory_space<semaphore_mem>>) src(%dma_wait3A_496 : memref<36928x768xf32, #tpu.memory_space<hbm>>) dst(%dma_wait3A_491 : memref<40x768xf32, #tpu.memory_space<vmem>>)
    %add3A_497 = arith.constant 480 : i32
    %add3A_498 = arith.addi %mul3A_20, %add3A_497 : i32
    %dma_start3A_499 = arith.constant 0 : i32
    %dma_start3A_500 = arith.constant 0 : i32
    %dma_start3A_501 = tpu.memref_slice %arg6[%dma_start3A_499, %dma_start3A_500] : memref<40x768xf32, #tpu.memory_space<vmem>> -> memref<40x768xf32, #tpu.memory_space<vmem>>
    %dma_start3A_502 = arith.constant 0 : i32
    %dma_start3A_503 = tpu.memref_slice %arg4[%add3A_498, %dma_start3A_502] : memref<18496x768xf32, #tpu.memory_space<hbm>> -> memref<40x768xf32, #tpu.memory_space<hbm>>
    %dma_start3A_504 = arith.constant 0 : i32
    %dma_start3A_505 = tpu.memref_slice %arg4[%add3A_498, %dma_start3A_504] : memref<18496x768xf32, #tpu.memory_space<hbm>> -> memref<40x768xf32, #tpu.memory_space<hbm>>
    %dma_start3A_506 = arith.constant 0 : i32
    %dma_start3A_507 = arith.constant 0 : i32
    %dma_start3A_508 = tpu.memref_slice %arg6[%dma_start3A_506, %dma_start3A_507] : memref<40x768xf32, #tpu.memory_space<vmem>> -> memref<40x768xf32, #tpu.memory_space<vmem>>
    tpu.enqueue_dma source(%dma_start3A_508 : memref<40x768xf32, #tpu.memory_space<vmem>>) target(%dma_start3A_505 : memref<40x768xf32, #tpu.memory_space<hbm>>) target_semaphore(%arg14 : memref<!tpu.dma_semaphore, #tpu.memory_space<semaphore_mem>>)
    %dma_wait3A_509 = arith.constant 0 : i32
    %dma_wait3A_510 = arith.constant 0 : i32
    %dma_wait3A_511 = tpu.memref_slice %arg7[%dma_wait3A_509, %dma_wait3A_510] : memref<40x768xf32, #tpu.memory_space<vmem>> -> memref<40x768xf32, #tpu.memory_space<vmem>>
    %dma_wait3A_512 = arith.constant 520 : i32
    %dma_wait3A_513 = tpu.memref_slice %arg5[%dma_wait3A_512] : memref<584xi32, #tpu.memory_space<vmem>> -> memref<40xi32, #tpu.memory_space<vmem>>
    %dma_wait3A_514 = arith.constant 0 : i32
    %dma_wait3A_515 = arith.constant 0 : i32
    %dma_wait3A_516 = tpu.memref_slice %arg2[%dma_wait3A_514, %dma_wait3A_515] : memref<36928x768xf32, #tpu.memory_space<hbm>> -> memref<36928x768xf32, #tpu.memory_space<hbm>>
    tpu.wait_indirect_dma semaphore(%arg11 : memref<!tpu.dma_semaphore, #tpu.memory_space<semaphore_mem>>) src(%dma_wait3A_516 : memref<36928x768xf32, #tpu.memory_space<hbm>>) dst(%dma_wait3A_511 : memref<40x768xf32, #tpu.memory_space<vmem>>)
    %add3A_517 = arith.constant 520 : i32
    %add3A_518 = arith.addi %mul3A_20, %add3A_517 : i32
    %dma_start3A_519 = arith.constant 0 : i32
    %dma_start3A_520 = arith.constant 0 : i32
    %dma_start3A_521 = tpu.memref_slice %arg7[%dma_start3A_519, %dma_start3A_520] : memref<40x768xf32, #tpu.memory_space<vmem>> -> memref<40x768xf32, #tpu.memory_space<vmem>>
    %dma_start3A_522 = arith.constant 0 : i32
    %dma_start3A_523 = tpu.memref_slice %arg4[%add3A_518, %dma_start3A_522] : memref<18496x768xf32, #tpu.memory_space<hbm>> -> memref<40x768xf32, #tpu.memory_space<hbm>>
    %dma_start3A_524 = arith.constant 0 : i32
    %dma_start3A_525 = tpu.memref_slice %arg4[%add3A_518, %dma_start3A_524] : memref<18496x768xf32, #tpu.memory_space<hbm>> -> memref<40x768xf32, #tpu.memory_space<hbm>>
    %dma_start3A_526 = arith.constant 0 : i32
    %dma_start3A_527 = arith.constant 0 : i32
    %dma_start3A_528 = tpu.memref_slice %arg7[%dma_start3A_526, %dma_start3A_527] : memref<40x768xf32, #tpu.memory_space<vmem>> -> memref<40x768xf32, #tpu.memory_space<vmem>>
    tpu.enqueue_dma source(%dma_start3A_528 : memref<40x768xf32, #tpu.memory_space<vmem>>) target(%dma_start3A_525 : memref<40x768xf32, #tpu.memory_space<hbm>>) target_semaphore(%arg15 : memref<!tpu.dma_semaphore, #tpu.memory_space<semaphore_mem>>)
    %dma_wait3A_529 = arith.constant 0 : i32
    %dma_wait3A_530 = arith.constant 0 : i32
    %dma_wait3A_531 = tpu.memref_slice %arg8[%dma_wait3A_529, %dma_wait3A_530] : memref<40x768xf32, #tpu.memory_space<vmem>> -> memref<24x768xf32, #tpu.memory_space<vmem>>
    %dma_wait3A_532 = arith.constant 560 : i32
    %dma_wait3A_533 = tpu.memref_slice %arg5[%dma_wait3A_532] : memref<584xi32, #tpu.memory_space<vmem>> -> memref<24xi32, #tpu.memory_space<vmem>>
    %dma_wait3A_534 = arith.constant 0 : i32
    %dma_wait3A_535 = arith.constant 0 : i32
    %dma_wait3A_536 = tpu.memref_slice %arg2[%dma_wait3A_534, %dma_wait3A_535] : memref<36928x768xf32, #tpu.memory_space<hbm>> -> memref<36928x768xf32, #tpu.memory_space<hbm>>
    tpu.wait_indirect_dma semaphore(%arg12 : memref<!tpu.dma_semaphore, #tpu.memory_space<semaphore_mem>>) src(%dma_wait3A_536 : memref<36928x768xf32, #tpu.memory_space<hbm>>) dst(%dma_wait3A_531 : memref<24x768xf32, #tpu.memory_space<vmem>>)
    %add3A_537 = arith.constant 560 : i32
    %add3A_538 = arith.addi %mul3A_20, %add3A_537 : i32
    %dma_start3A_539 = arith.constant 0 : i32
    %dma_start3A_540 = arith.constant 0 : i32
    %dma_start3A_541 = tpu.memref_slice %arg8[%dma_start3A_539, %dma_start3A_540] : memref<40x768xf32, #tpu.memory_space<vmem>> -> memref<24x768xf32, #tpu.memory_space<vmem>>
    %dma_start3A_542 = arith.constant 0 : i32
    %dma_start3A_543 = tpu.memref_slice %arg4[%add3A_538, %dma_start3A_542] : memref<18496x768xf32, #tpu.memory_space<hbm>> -> memref<24x768xf32, #tpu.memory_space<hbm>>
    %dma_start3A_544 = arith.constant 0 : i32
    %dma_start3A_545 = tpu.memref_slice %arg4[%add3A_538, %dma_start3A_544] : memref<18496x768xf32, #tpu.memory_space<hbm>> -> memref<24x768xf32, #tpu.memory_space<hbm>>
    %dma_start3A_546 = arith.constant 0 : i32
    %dma_start3A_547 = arith.constant 0 : i32
    %dma_start3A_548 = tpu.memref_slice %arg8[%dma_start3A_546, %dma_start3A_547] : memref<40x768xf32, #tpu.memory_space<vmem>> -> memref<24x768xf32, #tpu.memory_space<vmem>>
    tpu.enqueue_dma source(%dma_start3A_548 : memref<24x768xf32, #tpu.memory_space<vmem>>) target(%dma_start3A_545 : memref<24x768xf32, #tpu.memory_space<hbm>>) target_semaphore(%arg16 : memref<!tpu.dma_semaphore, #tpu.memory_space<semaphore_mem>>)
    %dma_wait3A_549 = arith.constant 0 : i32
    %dma_wait3A_550 = arith.constant 0 : i32
    %dma_wait3A_551 = tpu.memref_slice %arg6[%dma_wait3A_549, %dma_wait3A_550] : memref<40x768xf32, #tpu.memory_space<vmem>> -> memref<40x768xf32, #tpu.memory_space<vmem>>
    %dma_wait3A_552 = arith.constant 0 : i32
    %dma_wait3A_553 = tpu.memref_slice %arg4[%add3A_498, %dma_wait3A_552] : memref<18496x768xf32, #tpu.memory_space<hbm>> -> memref<40x768xf32, #tpu.memory_space<hbm>>
    %dma_wait3A_554 = arith.constant 0 : i32
    %dma_wait3A_555 = tpu.memref_slice %arg4[%add3A_498, %dma_wait3A_554] : memref<18496x768xf32, #tpu.memory_space<hbm>> -> memref<40x768xf32, #tpu.memory_space<hbm>>
    %dma_wait3A_556 = arith.constant 0 : i32
    %dma_wait3A_557 = arith.constant 0 : i32
    %dma_wait3A_558 = tpu.memref_slice %arg6[%dma_wait3A_556, %dma_wait3A_557] : memref<40x768xf32, #tpu.memory_space<vmem>> -> memref<40x768xf32, #tpu.memory_space<vmem>>
    tpu.wait_dma2 semaphore(%arg14 : memref<!tpu.dma_semaphore, #tpu.memory_space<semaphore_mem>>) src(%dma_wait3A_558 : memref<40x768xf32, #tpu.memory_space<vmem>>) dst(%dma_wait3A_555 : memref<40x768xf32, #tpu.memory_space<hbm>>)
    %dma_wait3A_559 = arith.constant 0 : i32
    %dma_wait3A_560 = arith.constant 0 : i32
    %dma_wait3A_561 = tpu.memref_slice %arg7[%dma_wait3A_559, %dma_wait3A_560] : memref<40x768xf32, #tpu.memory_space<vmem>> -> memref<40x768xf32, #tpu.memory_space<vmem>>
    %dma_wait3A_562 = arith.constant 0 : i32
    %dma_wait3A_563 = tpu.memref_slice %arg4[%add3A_518, %dma_wait3A_562] : memref<18496x768xf32, #tpu.memory_space<hbm>> -> memref<40x768xf32, #tpu.memory_space<hbm>>
    %dma_wait3A_564 = arith.constant 0 : i32
    %dma_wait3A_565 = tpu.memref_slice %arg4[%add3A_518, %dma_wait3A_564] : memref<18496x768xf32, #tpu.memory_space<hbm>> -> memref<40x768xf32, #tpu.memory_space<hbm>>
    %dma_wait3A_566 = arith.constant 0 : i32
    %dma_wait3A_567 = arith.constant 0 : i32
    %dma_wait3A_568 = tpu.memref_slice %arg7[%dma_wait3A_566, %dma_wait3A_567] : memref<40x768xf32, #tpu.memory_space<vmem>> -> memref<40x768xf32, #tpu.memory_space<vmem>>
    tpu.wait_dma2 semaphore(%arg15 : memref<!tpu.dma_semaphore, #tpu.memory_space<semaphore_mem>>) src(%dma_wait3A_568 : memref<40x768xf32, #tpu.memory_space<vmem>>) dst(%dma_wait3A_565 : memref<40x768xf32, #tpu.memory_space<hbm>>)
    %dma_wait3A_569 = arith.constant 0 : i32
    %dma_wait3A_570 = arith.constant 0 : i32
    %dma_wait3A_571 = tpu.memref_slice %arg8[%dma_wait3A_569, %dma_wait3A_570] : memref<40x768xf32, #tpu.memory_space<vmem>> -> memref<24x768xf32, #tpu.memory_space<vmem>>
    %dma_wait3A_572 = arith.constant 0 : i32
    %dma_wait3A_573 = tpu.memref_slice %arg4[%add3A_538, %dma_wait3A_572] : memref<18496x768xf32, #tpu.memory_space<hbm>> -> memref<24x768xf32, #tpu.memory_space<hbm>>
    %dma_wait3A_574 = arith.constant 0 : i32
    %dma_wait3A_575 = tpu.memref_slice %arg4[%add3A_538, %dma_wait3A_574] : memref<18496x768xf32, #tpu.memory_space<hbm>> -> memref<24x768xf32, #tpu.memory_space<hbm>>
    %dma_wait3A_576 = arith.constant 0 : i32
    %dma_wait3A_577 = arith.constant 0 : i32
    %dma_wait3A_578 = tpu.memref_slice %arg8[%dma_wait3A_576, %dma_wait3A_577] : memref<40x768xf32, #tpu.memory_space<vmem>> -> memref<24x768xf32, #tpu.memory_space<vmem>>
    tpu.wait_dma2 semaphore(%arg16 : memref<!tpu.dma_semaphore, #tpu.memory_space<semaphore_mem>>) src(%dma_wait3A_578 : memref<24x768xf32, #tpu.memory_space<vmem>>) dst(%dma_wait3A_575 : memref<24x768xf32, #tpu.memory_space<hbm>>)
    %dma_wait3A_579 = arith.constant 0 : i32
    %dma_wait3A_580 = arith.constant 0 : i32
    %dma_wait3A_581 = tpu.memref_slice %arg9[%dma_wait3A_579, %dma_wait3A_580] : memref<40x768xf32, #tpu.memory_space<vmem>> -> memref<40x768xf32, #tpu.memory_space<vmem>>
    %dma_wait3A_582 = arith.constant 0 : i32
    %dma_wait3A_583 = tpu.memref_slice %arg4[%add3A_460, %dma_wait3A_582] : memref<18496x768xf32, #tpu.memory_space<hbm>> -> memref<40x768xf32, #tpu.memory_space<hbm>>
    %dma_wait3A_584 = arith.constant 0 : i32
    %dma_wait3A_585 = tpu.memref_slice %arg4[%add3A_460, %dma_wait3A_584] : memref<18496x768xf32, #tpu.memory_space<hbm>> -> memref<40x768xf32, #tpu.memory_space<hbm>>
    %dma_wait3A_586 = arith.constant 0 : i32
    %dma_wait3A_587 = arith.constant 0 : i32
    %dma_wait3A_588 = tpu.memref_slice %arg9[%dma_wait3A_586, %dma_wait3A_587] : memref<40x768xf32, #tpu.memory_space<vmem>> -> memref<40x768xf32, #tpu.memory_space<vmem>>
    tpu.wait_dma2 semaphore(%arg17 : memref<!tpu.dma_semaphore, #tpu.memory_space<semaphore_mem>>) src(%dma_wait3A_588 : memref<40x768xf32, #tpu.memory_space<vmem>>) dst(%dma_wait3A_585 : memref<40x768xf32, #tpu.memory_space<hbm>>)
    return
  }
}

</mosaic_0001>

<sc_bundles>
// kernel: kernel.3.cloned.1.call-start
scs
__scs_entry_jumppad:
0x0: {  	(pc) =	sbr.rel $0x88, $3  }
0x1: {  	(tag) =	ssettag $0x0;
	lr =	simm.s32 $0x1  }
0x2: {  	[smem:$0x3FA0] =	sst lr;
	_ =	strace $0xD0000000  }
0x3: {  	_ = 	snop  }
0x4: {  	_ = 	snop  }
0x5: {  	_ = 	snop  }
0x6: {  	_ = 	snop  }
0x7: {  	_ = 	snop  }
__scs_overlays_trampoline_lowered:
0x8: {  	[smem:$0x3FAF] =	sst s0  }
0x9: {  	[smem:$0x3FB0] =	sst s1  }
0xa: {  	[smem:$0x3FB1] =	sst s2  }
0xb: {  	[smem:$0x3FB2] =	sst s3  }
0xc: {  	[smem:$0x3FB3] =	sst s4  }
0xd: {  	[smem:$0x3FB4] =	sst s5  }
0xe: {  	[smem:$0x3FB5] =	sst s6  }
0xf: {  	[smem:$0x3FB6] =	sst s7  }
0x10: {  	[smem:$0x3FB7] =	sst s8  }
0x11: {  	[smem:$0x3FB8] =	sst s9;
	s0 =	simm.s32 @!p0 $0x0  }
0x12: {  	s1 =	sld [smem:$0x3F9E];
	s0 =	simm.s32 @p0 $0x1  }
0x13: {  	[smem:$0x3FB9] =	sst s0;
	s0 =	simm.s32 @!p1 $0x0  }
0x14: {  	s2 =	sld [smem:$0x3F9D];
	s0 =	simm.s32 @p1 $0x1  }
0x15: {  	[smem:$0x3FBA] =	sst s0;
	s0 =	simm.s32 @!p2 $0x0  }
0x16: {  	s3 =	sld [smem:$0x3FDB];
	s0 =	simm.s32 @p2 $0x1  }
0x17: {  	s4 =	simm.s32 $0x1BF5;
	[smem:$0x3FBC] =	sst s0  }
0x18: {  	s0 =	sld [smem:$0x3F9F];
	_ =	swait.ge [sflag:s4], $0x0  }
0x19: {  	s7 =	sld [smem:$0x3FA0]  }
0x1a: {  	s8 =	sadd.s32 $0xFFFFE003, lr  }
0x1b: {  	s9 =	sadd.s32 $0xFFFFFEF7, lr;
	s5 =	simm.s32 $0xFFFFFFFF;
	p2 =	slt.u32 s8, $0xFFFFF086  }
0x1c: {  	p1 =	slt.u32 s9, $0xF7A;
	s5 =	simm.s32 @!p2 $0x0  }
0x1d: {  	s5 =	simm.s32 @p1 $0x1;
	p0 =	seq.s32 s7, s2  }
0x1e: {  	s7 =	smul.u32 @!p0 $0xF7A, s2;
	p2 =	seq.s32 @!p0 s5, $0x0  }
0x1f: {  	s9 =	smul.u32 $0xF7A, s1;
	s8 =	simm.s32 @!p0 $0x1BF5;
	p2 =	por !p2, p0  }
0x20: {  	[sflag:s8] =	ssyncset.s32 @!p0 $0xFFFFF086;
	s6 =	sadd.s32 @!p0 s3, s7;
	s7 =	simm.s32 @!p0 $0x108  }
0x21: {  	s3 =	sadd.s32 s3, s9;
	s6 =	sadd.s32 @!p0 $0x88, s6;
	s7 =	simm.s32 @p2 $0x1082  }
0x22: {  	[simem:s7], [sflag:s8] =	dma.local @!p0 [hbm:s6], $0xF7A  }
0x23: {  	s9 =	sor.u32 $0xD0000000, s2;
	s6 =	simm.s32 $0x108;
	_ =	swait.ge @!p0 [sflag:s8], $0x0  }
0x24: {  	s3 =	sadd.s32 $0x88, s3;
	s6 =	simm.s32 @!p1 $0x1082;
	[sflag:s4] =	ssyncset.s32 $0xFFFFF086  }
0x25: {  	[simem:s6], [sflag:s4] =	dma.local [hbm:s3], $0xF7A  }
0x26: {  	[smem:$0x3FA0] =	sst s1;
	(tag) =	ssettag s2;
	_ =	strace s9  }
0x27: {  	s1 =	sld [smem:$0x3FB0]  }
0x28: {  	s2 =	sld [smem:$0x3FB1]  }
0x29: {  	s4 =	sld [smem:$0x3FB3]  }
0x2a: {  	p0 =	seq.s32 s5, $0x0;
	s5 =	sld [smem:$0x3FB4]  }
0x2b: {  	s6 =	sld [smem:$0x3FB5]  }
0x2c: {  	s7 =	sld [smem:$0x3FB6]  }
0x2d: {  	s3 =	simm.s32 $0x108;
	s8 =	sld [smem:$0x3FB7]  }
0x2e: {  	s3 =	simm.s32 @!p0 $0x1082;
	s9 =	sld [smem:$0x3FB8]  }
0x2f: {  	lr =	sadd.s32 s0, s3;
	s0 =	sld [smem:$0x3FAF]  }
0x30: {  	s3 =	sld [smem:$0x3FB2]  }
0x31: {  	[smem:$0x3FBB] =	sst s10  }
0x32: {  	s10 =	sld [smem:$0x3FB9];
	_ =	sdelay $0x3  }
0x33: {  	p0 =	seq.s32 s10, $0x1;
	s10 =	sld [smem:$0x3FBB];
	_ =	sdelay $0x3  }
0x34: {  	[smem:$0x3FBB] =	sst s10  }
0x35: {  	s10 =	sld [smem:$0x3FBA];
	_ =	sdelay $0x3  }
0x36: {  	p1 =	seq.s32 s10, $0x1;
	s10 =	sld [smem:$0x3FBB];
	_ =	sdelay $0x3  }
0x37: {  	[smem:$0x3FBB] =	sst s10  }
0x38: {  	s10 =	sld [smem:$0x3FBC]  }
0x39: {  	_ = 	snop;
	(pc) =	sbr.ind lr, $3  }
0x3a: {  	_ = 	snop  }
0x3b: {  	_ = 	snop  }
0x3c: {  	p2 =	seq.s32 s10, $0x1;
	s10 =	sld [smem:$0x3FBB]  }
0x3d: {  	_ =	shalt  }
0x3e: {  	_ =	shalt  }
0x3f: {  	_ =	shalt  }
0x40: {  	_ =	shalt  }
0x41: {  	_ =	shalt  }
0x42: {  	_ =	shalt  }
0x43: {  	_ =	shalt  }
0x44: {  	_ =	shalt  }
0x45: {  	_ =	shalt  }
0x46: {  	_ =	shalt  }
0x47: {  	_ =	shalt  }
0x48: {  	_ =	shalt  }
0x49: {  	_ =	shalt  }
0x4a: {  	_ =	shalt  }
0x4b: {  	_ =	shalt  }
0x4c: {  	_ =	shalt  }
0x4d: {  	_ =	shalt  }
0x4e: {  	_ =	shalt  }
0x4f: {  	_ =	shalt  }
0x50: {  	_ =	shalt  }
0x51: {  	_ =	shalt  }
0x52: {  	_ =	shalt  }
0x53: {  	_ =	shalt  }
0x54: {  	_ =	shalt  }
0x55: {  	_ =	shalt  }
0x56: {  	_ =	shalt  }
0x57: {  	_ =	shalt  }
0x58: {  	_ =	shalt  }
0x59: {  	_ =	shalt  }
0x5a: {  	_ =	shalt  }
0x5b: {  	_ =	shalt  }
0x5c: {  	_ =	shalt  }
0x5d: {  	_ =	shalt  }
0x5e: {  	_ =	shalt  }
0x5f: {  	_ =	shalt  }
0x60: {  	_ =	shalt  }
0x61: {  	_ =	shalt  }
0x62: {  	_ =	shalt  }
0x63: {  	_ =	shalt  }
0x64: {  	_ =	shalt  }
0x65: {  	_ =	shalt  }
0x66: {  	_ =	shalt  }
0x67: {  	_ =	shalt  }
0x68: {  	_ =	shalt  }
0x69: {  	_ =	shalt  }
0x6a: {  	_ =	shalt  }
0x6b: {  	_ =	shalt  }
0x6c: {  	_ =	shalt  }
0x6d: {  	_ =	shalt  }
0x6e: {  	_ =	shalt  }
0x6f: {  	_ =	shalt  }
0x70: {  	_ =	shalt  }
0x71: {  	_ =	shalt  }
0x72: {  	_ =	shalt  }
0x73: {  	_ =	shalt  }
0x74: {  	_ =	shalt  }
0x75: {  	_ =	shalt  }
0x76: {  	_ =	shalt  }
0x77: {  	_ =	shalt  }
0x78: {  	_ =	shalt  }
0x79: {  	_ =	shalt  }
0x7a: {  	_ =	shalt  }
0x7b: {  	_ =	shalt  }
0x7c: {  	_ =	shalt  }
0x7d: {  	_ =	shalt  }
0x7e: {  	_ =	shalt  }
0x7f: {  	_ =	shalt  }
0x80: {  	_ =	shalt  }
0x81: {  	_ =	shalt  }
0x82: {  	_ =	shalt  }
0x83: {  	_ =	shalt  }
0x84: {  	_ =	shalt  }
0x85: {  	_ =	shalt  }
0x86: {  	_ =	shalt  }
0x87: {  	_ =	shalt  }
.Lfunc_end0:
.L_simem_size_0:
called_computation_lowered:
.L_overlay_start_0:
0x88: {  	s2 =	sld [smem:$0x3FD9]  }
0x89: {  	s3 =	sld [smem:$0x3FFE];
	_ =	sdelay $0x1  }
0x8a: {  	s1 =	srdreg.scid  }
0x8b: {  	s0 =	sand.u32 $0x1, s1  }
0x8c: {  	s17 =	sshll.u32 s0, $0xA;
	s2 =	sadd.s32 s3, s2  }
0x8d: {  	s2 =	sadd.s32 s2, s17  }
0x8e: {  	[smem:$0x3FC7] =	sst s2  }
0x8f: {  	_ = 	snop  }
0x90: {  	s2 =	sld [smem:$0x3FC9]  }
0x91: {  	s18 =	sld [smem:$0x3FD0];
	(tm) =	ssettm $0x1  }
0x92: {  	s4 =	sld [smem:$0x3FFB];
	_ =	sdelay $0x3  }
0x93: {  	_ =	strace s4  }
0x94: {  	s4 =	sld [smem:$0x3FFC];
	_ =	sdelay $0x3  }
0x95: {  	_ =	strace s4  }
0x96: {  	s4 =	sld [smem:$0x3FFD];
	_ =	sdelay $0x3  }
0x97: {  	_ =	strace s4  }
0x98: {  	_ =	strace $0x8FFFFFFF  }
0x99: {  	s19 =	sld [smem:$0x3FDB];
	_ =	sdelay $0x1  }
0x9a: {  	s5 =	simm.s32 $_scs_section_size  }
0x9b: {  	s6 =	simm.s32 $_size__tile_overlayer_lowered;
	s7 =	simm.s32 $_tile_overlayer_lowered  }
0x9c: {  	s22 =	simm.s32 $0x1BFF;
	s21 =	sshll.u32 s7, $0x1;
	s4 =	sadd.s32 s5, s19  }
0x9d: {  	s8 =	simm.s32 $0x0;
	s20 =	sshll.u32 s6, $0x1;
	s6 =	sadd.s32 s21, s4  }
0x9e: {  	[timem:s8], [sflag:s22] =	dma.local [hbm:s6], s20  }
0x9f: {  	_ =	swait.ge [sflag:s22], s20  }
0xa0: {  	s5 =	ssub.s32 $0x0, s20;
	[sflag:s22] =	ssyncset.done $0x0  }
0xa1: {  	[sflag:s22] =	ssyncadd.s32 s5;
	_ =	sdelay $0x1  }
0xa2: {  	s23 =	simm.s32 $0x1B8B  }
0xa3: {  	_ =	swait.ge [sflag:s23], $0x1  }
0xa4: {  	[sflag:s23] =	ssyncset.done $0x0  }
0xa5: {  	s25 =	simm.s32 $0x1B8E;
	s24 =	sld [smem:$0x3FFE];
	[sflag:s23] =	ssyncadd.s32 $0xFFFFFFFF  }
0xa6: {  	s26 =	simm.s32 $execute0_lowered;
	[smem:$0x3FD2] =	sst s25  }
0xa7: {  	s6 =	sshll.u32 s26, $0x1;
	_ =	strace $0x80000046;
	[dreg:$0x1] =	wrdreg $0xFFFFFFFF  }
0xa8: {  	s28 =	simm.s32 $_size_execute0_lowered;
	s4 =	sadd.s32 s4, s6;
	[dreg:$0x0] =	wrdreg $0x0  }
0xa9: {  	s6 =	sshll.u32 s28, $0x1;
	[dreg:$0x2] =	wrdreg s4  }
0xaa: {  	[dreg:$0x3] =	wrdreg s6  }
0xab: {  	[dreg:$0x4] =	wrdreg $0xC0  }
0xac: {  	_ =	task [dreg:s8], $0x5FFFF  }
0xad: {  	[dreg:$0x1] =	wrdreg $0xFFFFFFFF  }
0xae: {  	[dreg:$0x0] =	wrdreg $0x60  }
0xaf: {  	[dreg:$0x2] =	wrdreg s2  }
0xb0: {  	[dreg:$0x3] =	wrdreg s24  }
0xb1: {  	[dreg:$0x4] =	wrdreg s18  }
0xb2: {  	[dreg:$0x5] =	wrdreg $0x9  }
0xb3: {  	_ =	task.clear_ibuf [dreg:s8], $0x6FFFF;
	_ =	strace $0x90000046  }
0xb4: {  	s29 =	simm.s32 $0x9;
	_ =	strace $0x80000048  }
0xb5: {  	_ =	swait.ge [sflag:s29], $0x1  }
0xb6: {  	[sflag:s29] =	ssyncadd.s32 $0xFFFFFFFF  }
0xb7: {  	_ =	strace $0x90000048  }
0xb8: {  	_ =	sfence  }
0xb9: {  	s30 =	sld [smem:$0x0];
	_ =	sdelay $0x2  }
0xba: {  	s31 =	sshll.u32 s1, $0xD;
	s1 =	sshrl.u32 s1, $0x2  }
0xbb: {  	s3 =	sand.u32 $0x4000, s31;
	s1 =	sadd.s32 s1, s30  }
0xbc: {  	s0 =	sor.u32 s3, s0;
	s1 =	sshll.u32 s1, $0x11  }
0xbd: {  	s0 =	sor.u32 s1, s0  }
0xbe: {  	s0 =	sadd.s32 $0x8F2B, s0  }
0xbf: {  	[sflag:s0] =	ssyncadd.remote.s32 $0x1  }
0xc0: {  	_ =	sfence.sel $0xFFFF  }
0xc1: {  	[dreg:$0x0] =	wrdreg $0xFFFFFFFF;
	(pc) =	sbr.abs _section_cstart, $3  }
0xc2: {  	[dreg:$0x1] =	wrdreg $0xFFFFFFFF  }
0xc3: {  	_ =	task.clear_ibuf [dreg:s8], $0x2FFFF;
	_ =	strace $0x9FFFFFFF  }
0xc4: {  	(tm) =	ssettm $0x7FFFFFFF  }
0xc5: {  	_ =	shalt  }
tec
execute0_lowered:
.L_overlay_start_1:
0x0: {  	(tag) =	ssettag $0x1  }
0x1: {  	s1 =	rddreg [dreg:$0x0]  }
0x2: {  	s0 =	srdreg.scid;
	s4 =	rddreg [dreg:$0x1]  }
0x3: {  	s3 =	stileid.u32;
	s6 =	rddreg [dreg:$0x2];
	s28 =	simm.s32 $0x5  }
0x4: {  	s29 =	simm.s32 $0x3;
	s30 =	simm.s32 $0x6;
	s31 =	simm.s32 $0x4  }
0x5: {  	s0 =	sand.u32 $0x1, s0;
	s2 =	sshll.u32 s3, $0x1;
	s3 =	sshrl.u32 s3, $0x2  }
0x6: {  	s2 =	sor.u32 s0, s2;
	s5 =	smul.u32 $0x1400, s3;
	s3 =	simm.s32 $0x0  }
0x7: {  	s20 =	sshll.u32 s2, $0x7;
	s2 =	smul.u32 $0x242, s2;
	[smem:$0x7FF] =	sst s3  }
0x8: {  	s0 =	ssub.s32 $0x2, s0;
	s7 =	sand.u32 $0x380, s20;
	_ =	strace $0x80000047  }
0x9: {  	s5 =	sor.u32 s5, s7;
	s21 =	sadd.s32 $0x28, s2;
	s22 =	sshrl.u32 s2, $0x3  }
0xa: {  	s24 =	sadd.s32 $0x78, s2;
	s26 =	sadd.s32 $0xC8, s2;
	s9 =	sadd.s32 $0x118, s2  }
0xb: {  	s15 =	sadd.s32 $0x168, s2;
	s18 =	sadd.s32 $0x1B8, s2;
	s2 =	sadd.s32 $0x208, s2  }
0xc: {  	s5 =	sshrl.u32 s5, $0x3;
	s7 =	sshrl.u32 s21, $0x3;
	s25 =	sshrl.u32 s24, $0x3  }
0xd: {  	s2 =	sshrl.u32 s2, $0x3;
	s4 =	sadd.s32 s5, s4;
	s7 =	smul.u32 $0x300, s7  }
0xe: {  	s16 =	sshrl.u32 s15, $0x3;
	s2 =	smul.u32 $0x300, s2;
	s4 =	sadd.s32 $0x400, s4  }
0xf: {  	s5 =	smul.u32 $0x300, s22;
	[dreg:$0x4] =	wrdreg s4;
	s23 =	sadd.s32 s6, s7  }
0x10: {  	s19 =	sshrl.u32 s18, $0x3;
	s2 =	sadd.s32 s6, s2;
	[dreg:$0x5] =	wrdreg s23  }
0x11: {  	s15 =	simm.s32 $0x16A80;
	s8 =	sadd.s32 s6, s5;
	[dreg:$0x11] =	wrdreg s2  }
0x12: {  	s4 =	smul.u32 $0x300, s25;
	s25 =	simm.s32 $0x80;
	[dreg:$0x15] =	wrdreg s8  }
0x13: {  	s7 =	sshrl.u32 s26, $0x3;
	s26 =	simm.s32 $0x400;
	[dreg:$0x13] =	wrdreg s25  }
0x14: {  	s5 =	sadd.s32 $0x1E00, s8;
	s10 =	sadd.s32 $0x3C00, s8;
	[dreg:$0x14] =	wrdreg s26  }
0x15: {  	s13 =	sadd.s32 $0x5A00, s8;
	s17 =	sadd.s32 $0x7800, s8;
	[dreg:$0x6] =	wrdreg s5  }
0x16: {  	s20 =	sadd.s32 $0x9600, s8;
	s22 =	sadd.s32 $0xB400, s8;
	[dreg:$0x8] =	wrdreg s10  }
0x17: {  	s23 =	sshrl.u32 s0, $0x1;
	s24 =	sadd.s32 $0xD200, s8;
	[dreg:$0xa] =	wrdreg s13  }
0x18: {  	s26 =	simm.s32 $0x2;
	s2 =	simm.s32 $0x7;
	[dreg:$0xc] =	wrdreg s17  }
0x19: {  	s4 =	sadd.s32 s6, s4;
	s5 =	smul.u32 $0x300, s7;
	[dreg:$0xe] =	wrdreg s20  }
0x1a: {  	s7 =	sshrl.u32 s9, $0x3;
	[dreg:$0x10] =	wrdreg s22;
	s0 =	ssub.s32 s0, s23  }
0x1b: {  	[dreg:$0x12] =	wrdreg s24;
	s9 =	simm.s32 $0xF280;
	s23 =	simm.s32 $0x1  }
0x1c: {  	s24 =	simm.s32 $0x280;
	[dreg:$0x7] =	wrdreg s4;
	s12 =	smul.u32 $0x300, s7  }
0x1d: {  	s4 =	smul.u32 $0x300, s16;
	s7 =	smax.u32 s0, $0x1;
	s11 =	sadd.s32 s6, s5  }
0x1e: {  	s5 =	smul.u32 $0x300, s19;
	[dreg:$0x9] =	wrdreg s11;
	s14 =	sadd.s32 s6, s12  }
0x1f: {  	v2 =	vlaneseq.u32;
	s0 =	simm.s32 $0x8;
	s4 =	sadd.s32 s6, s4;
	[dreg:$0xb] =	wrdreg s14  }
0x20: {  	vm0 =	vmmov $0xffff;
	v1 =	vshrl.u32 v2, $0x3;
	[dreg:$0xd] =	wrdreg s4;
	s21 =	sadd.s32 s6, s5;
	s5 =	sadd.s32 $0x100, s1  }
0x21: {  	v0 =	vand.u32 $0x7, v2;
	v2 =	vor.u32 $0x8, v2;
	v1 =	vmul.u32 $0x8, v1;
	s6 =	sadd.s32 $0x200, s1;
	s14 =	simm.s32 $0x7A80;
	[dreg:$0xf] =	wrdreg s21  }
.LBB2_1:
0x22: {  	s4 =	rddreg [dreg:$0x4]  }
0x23: {  	s8 =	rddreg [dreg:$0x13]  }
0x24: {  	s10 =	rddreg [dreg:$0x14]  }
0x25: {  	[tilespmem:s3], [sflag:$0x9] =	stream.strided.gather [hbm4b:s4+s8], $0x280, s10, s8, $0x38;
	[tilespmem:$0x1E280] =	vst v63  }
0x26: {  	s8 =	simm.s32 $0x9  }
0x27: {  	_ =	swait.ge [sflag:s8], $0x280  }
0x28: {  	[sflag:s8] =	ssyncset.done $0x0  }
0x29: {  	[sflag:s8] =	ssyncadd.s32 $0xFFFFFD80  }
0x2a: {  	v3 =	vld [tilespmem:$0x0];
	_ =	sdelay $0x4  }
0x2b: {  	v4 =	vshrl.u32 v3, $0x3  }
0x2c: {  	v4 =	vmul.u32 $0x30, v4  }
0x2d: {  	v3 =	vand.u32 $0x7, v3  }
0x2e: {  	v3 =	vor.u32 v3, v4  }
0x2f: {  	v4 =	vperm.xlane v3, v0;
	_ =	sdelay $0x1  }
0x30: {  	v4 =	vadd.s32 v1, v4;
	_ =	sdelay $0x3  }
0x31: {  	v3 =	vperm.xlane v3, v2  }
0x32: {  	[tilespmem:s24], [sflag:$0x1] =	stream.indirect_vreg.gather [hbm4b:s1+s3], $0x80, v4, vm0, $0xb8;
	[tilespmem:$0x1E280] =	vst v63  }
0x33: {  	s10 =	simm.s32 $0xA80;
	v3 =	vadd.s32 v1, v3  }
0x34: {  	[tilespmem:s10], [sflag:$0x1] =	stream.indirect_vreg.gather [hbm4b:s5+s3], $0x80, v4, vm0, $0xb8;
	[tilespmem:$0x1E280] =	vst v63  }
0x35: {  	s11 =	simm.s32 $0x1280  }
0x36: {  	[tilespmem:s11], [sflag:$0x1] =	stream.indirect_vreg.gather [hbm4b:s6+s3], $0x80, v4, vm0, $0xb8;
	[tilespmem:$0x1E280] =	vst v63  }
0x37: {  	s12 =	simm.s32 $0x1A80  }
0x38: {  	[tilespmem:s12], [sflag:$0x1] =	stream.indirect_vreg.gather [hbm4b:s1+s3], $0x80, v3, vm0, $0xb8;
	[tilespmem:$0x1E280] =	vst v63  }
0x39: {  	s13 =	simm.s32 $0x2280  }
0x3a: {  	[tilespmem:s13], [sflag:$0x1] =	stream.indirect_vreg.gather [hbm4b:s5+s3], $0x80, v3, vm0, $0xb8;
	[tilespmem:$0x1E280] =	vst v63  }
0x3b: {  	s17 =	simm.s32 $0x2A80  }
0x3c: {  	[tilespmem:s17], [sflag:$0x1] =	stream.indirect_vreg.gather [hbm4b:s6+s3], $0x80, v3, vm0, $0xb8;
	[tilespmem:$0x1E280] =	vst v63  }
0x3d: {  	v3 =	vld [tilespmem:$0x10];
	_ =	sdelay $0x4  }
0x3e: {  	v21 =	vshrl.u32 v3, $0x3  }
0x3f: {  	v4 =	vmul.u32 $0x30, v21  }
0x40: {  	v3 =	vand.u32 $0x7, v3  }
0x41: {  	v3 =	vor.u32 v3, v4  }
0x42: {  	v4 =	vperm.xlane v3, v0;
	_ =	sdelay $0x1  }
0x43: {  	v4 =	vadd.s32 v1, v4;
	_ =	sdelay $0x3  }
0x44: {  	s18 =	simm.s32 $0x3280;
	v3 =	vperm.xlane v3, v2  }
0x45: {  	[tilespmem:s18], [sflag:$0x1] =	stream.indirect_vreg.gather [hbm4b:s1+s3], $0x80, v4, vm0, $0xb8;
	[tilespmem:$0x1E280] =	vst v63  }
0x46: {  	s19 =	simm.s32 $0x3A80;
	v3 =	vadd.s32 v1, v3  }
0x47: {  	[tilespmem:s19], [sflag:$0x1] =	stream.indirect_vreg.gather [hbm4b:s5+s3], $0x80, v4, vm0, $0xb8;
	[tilespmem:$0x1E280] =	vst v63  }
0x48: {  	s20 =	simm.s32 $0x4280  }
0x49: {  	[tilespmem:s20], [sflag:$0x1] =	stream.indirect_vreg.gather [hbm4b:s6+s3], $0x80, v4, vm0, $0xb8;
	[tilespmem:$0x1E280] =	vst v63  }
0x4a: {  	s8 =	simm.s32 $0x4A80  }
0x4b: {  	[tilespmem:s8], [sflag:$0x1] =	stream.indirect_vreg.gather [hbm4b:s1+s3], $0x80, v3, vm0, $0xb8;
	[tilespmem:$0x1E280] =	vst v63  }
0x4c: {  	s10 =	simm.s32 $0x5280  }
0x4d: {  	[tilespmem:s10], [sflag:$0x1] =	stream.indirect_vreg.gather [hbm4b:s5+s3], $0x80, v3, vm0, $0xb8;
	[tilespmem:$0x1E280] =	vst v63  }
0x4e: {  	s13 =	simm.s32 $0x5A80  }
0x4f: {  	[tilespmem:s13], [sflag:$0x1] =	stream.indirect_vreg.gather [hbm4b:s6+s3], $0x80, v3, vm0, $0xb8;
	[tilespmem:$0x1E280] =	vst v63  }
0x50: {  	v3 =	vld.msk [tilespmem:$0x20], $0xff;
	_ =	sdelay $0x4  }
0x51: {  	v22 =	vshrl.u32 v3, $0x3  }
0x52: {  	v4 =	vmul.u32 $0x30, v22  }
0x53: {  	v3 =	vand.u32 $0x7, v3  }
0x54: {  	v3 =	vor.u32 v3, v4  }
0x55: {  	v3 =	vperm.xlane v3, v0;
	_ =	sdelay $0x1  }
0x56: {  	v3 =	vadd.s32 v1, v3;
	_ =	sdelay $0x3  }
0x57: {  	s8 =	simm.s32 $0x6280  }
0x58: {  	[tilespmem:s8], [sflag:$0x1] =	stream.indirect_vreg.gather [hbm4b:s1+s3], $0x80, v3, vm0, $0xb8;
	[tilespmem:$0x1E280] =	vst v63  }
0x59: {  	s10 =	simm.s32 $0x6A80  }
0x5a: {  	[tilespmem:s10], [sflag:$0x1] =	stream.indirect_vreg.gather [hbm4b:s5+s3], $0x80, v3, vm0, $0xb8;
	[tilespmem:$0x1E280] =	vst v63  }
0x5b: {  	s8 =	simm.s32 $0x7280  }
0x5c: {  	[tilespmem:s8], [sflag:$0x1] =	stream.indirect_vreg.gather [hbm4b:s6+s3], $0x80, v3, vm0, $0xb8;
	[tilespmem:$0x1E280] =	vst v63  }
0x5d: {  	v3 =	vld [tilespmem:$0x28];
	_ =	sdelay $0x4  }
0x5e: {  	v23 =	vshrl.u32 v3, $0x3  }
0x5f: {  	v4 =	vmul.u32 $0x30, v23  }
0x60: {  	v3 =	vand.u32 $0x7, v3  }
0x61: {  	v3 =	vor.u32 v3, v4  }
0x62: {  	v4 =	vperm.xlane v3, v0;
	_ =	sdelay $0x1  }
0x63: {  	v4 =	vadd.s32 v1, v4;
	_ =	sdelay $0x3  }
0x64: {  	v3 =	vperm.xlane v3, v2  }
0x65: {  	[tilespmem:s14], [sflag:$0x2] =	stream.indirect_vreg.gather [hbm4b:s1+s3], $0x80, v4, vm0, $0xb8;
	[tilespmem:$0x1E280] =	vst v63  }
0x66: {  	s4 =	simm.s32 $0x8280;
	v3 =	vadd.s32 v1, v3  }
0x67: {  	[tilespmem:s4], [sflag:$0x2] =	stream.indirect_vreg.gather [hbm4b:s5+s3], $0x80, v4, vm0, $0xb8;
	[tilespmem:$0x1E280] =	vst v63  }
0x68: {  	s4 =	simm.s32 $0x8A80  }
0x69: {  	[tilespmem:s4], [sflag:$0x2] =	stream.indirect_vreg.gather [hbm4b:s6+s3], $0x80, v4, vm0, $0xb8;
	[tilespmem:$0x1E280] =	vst v63  }
0x6a: {  	s4 =	simm.s32 $0x9280  }
0x6b: {  	[tilespmem:s4], [sflag:$0x2] =	stream.indirect_vreg.gather [hbm4b:s1+s3], $0x80, v3, vm0, $0xb8;
	[tilespmem:$0x1E280] =	vst v63  }
0x6c: {  	s4 =	simm.s32 $0x9A80  }
0x6d: {  	[tilespmem:s4], [sflag:$0x2] =	stream.indirect_vreg.gather [hbm4b:s5+s3], $0x80, v3, vm0, $0xb8;
	[tilespmem:$0x1E280] =	vst v63  }
0x6e: {  	s4 =	simm.s32 $0xA280  }
0x6f: {  	[tilespmem:s4], [sflag:$0x2] =	stream.indirect_vreg.gather [hbm4b:s6+s3], $0x80, v3, vm0, $0xb8;
	[tilespmem:$0x1E280] =	vst v63  }
0x70: {  	v3 =	vld [tilespmem:$0x38];
	_ =	sdelay $0x4  }
0x71: {  	v24 =	vshrl.u32 v3, $0x3  }
0x72: {  	v4 =	vmul.u32 $0x30, v24  }
0x73: {  	v3 =	vand.u32 $0x7, v3  }
0x74: {  	v3 =	vor.u32 v3, v4  }
0x75: {  	v4 =	vperm.xlane v3, v0;
	_ =	sdelay $0x1  }
0x76: {  	v4 =	vadd.s32 v1, v4;
	_ =	sdelay $0x3  }
0x77: {  	s4 =	simm.s32 $0xAA80;
	v3 =	vperm.xlane v3, v2  }
0x78: {  	[tilespmem:s4], [sflag:$0x2] =	stream.indirect_vreg.gather [hbm4b:s1+s3], $0x80, v4, vm0, $0xb8;
	[tilespmem:$0x1E280] =	vst v63  }
0x79: {  	v3 =	vadd.s32 v1, v3;
	s4 =	simm.s32 $0xB280  }
0x7a: {  	[tilespmem:s4], [sflag:$0x2] =	stream.indirect_vreg.gather [hbm4b:s5+s3], $0x80, v4, vm0, $0xb8;
	[tilespmem:$0x1E280] =	vst v63  }
0x7b: {  	s4 =	simm.s32 $0xBA80  }
0x7c: {  	[tilespmem:s4], [sflag:$0x2] =	stream.indirect_vreg.gather [hbm4b:s6+s3], $0x80, v4, vm0, $0xb8;
	[tilespmem:$0x1E280] =	vst v63  }
0x7d: {  	s4 =	simm.s32 $0xC280  }
0x7e: {  	[tilespmem:s4], [sflag:$0x2] =	stream.indirect_vreg.gather [hbm4b:s1+s3], $0x80, v3, vm0, $0xb8;
	[tilespmem:$0x1E280] =	vst v63  }
0x7f: {  	s4 =	simm.s32 $0xCA80  }
0x80: {  	[tilespmem:s4], [sflag:$0x2] =	stream.indirect_vreg.gather [hbm4b:s5+s3], $0x80, v3, vm0, $0xb8;
	[tilespmem:$0x1E280] =	vst v63  }
0x81: {  	s4 =	simm.s32 $0xD280  }
0x82: {  	[tilespmem:s4], [sflag:$0x2] =	stream.indirect_vreg.gather [hbm4b:s6+s3], $0x80, v3, vm0, $0xb8;
	[tilespmem:$0x1E280] =	vst v63  }
0x83: {  	v3 =	vld.msk [tilespmem:$0x48], $0xff;
	_ =	sdelay $0x4  }
0x84: {  	v25 =	vshrl.u32 v3, $0x3  }
0x85: {  	v4 =	vmul.u32 $0x30, v25  }
0x86: {  	v3 =	vand.u32 $0x7, v3  }
0x87: {  	v3 =	vor.u32 v3, v4  }
0x88: {  	v3 =	vperm.xlane v3, v0;
	_ =	sdelay $0x1  }
0x89: {  	v3 =	vadd.s32 v1, v3;
	_ =	sdelay $0x3  }
0x8a: {  	s4 =	simm.s32 $0xDA80  }
0x8b: {  	[tilespmem:s4], [sflag:$0x2] =	stream.indirect_vreg.gather [hbm4b:s1+s3], $0x80, v3, vm0, $0xb8;
	[tilespmem:$0x1E280] =	vst v63  }
0x8c: {  	s4 =	simm.s32 $0xE280  }
0x8d: {  	[tilespmem:s4], [sflag:$0x2] =	stream.indirect_vreg.gather [hbm4b:s5+s3], $0x80, v3, vm0, $0xb8;
	[tilespmem:$0x1E280] =	vst v63  }
0x8e: {  	s4 =	simm.s32 $0xEA80  }
0x8f: {  	[tilespmem:s4], [sflag:$0x2] =	stream.indirect_vreg.gather [hbm4b:s6+s3], $0x80, v3, vm0, $0xb8;
	[tilespmem:$0x1E280] =	vst v63  }
0x90: {  	v3 =	vld [tilespmem:$0x50];
	_ =	sdelay $0x4  }
0x91: {  	v26 =	vshrl.u32 v3, $0x3  }
0x92: {  	v4 =	vmul.u32 $0x30, v26  }
0x93: {  	v3 =	vand.u32 $0x7, v3  }
0x94: {  	v3 =	vor.u32 v3, v4  }
0x95: {  	v4 =	vperm.xlane v3, v0;
	_ =	sdelay $0x1  }
0x96: {  	v4 =	vadd.s32 v1, v4;
	_ =	sdelay $0x3  }
0x97: {  	v3 =	vperm.xlane v3, v2  }
0x98: {  	[tilespmem:s9], [sflag:$0x3] =	stream.indirect_vreg.gather [hbm4b:s1+s3], $0x80, v4, vm0, $0xb8;
	[tilespmem:$0x1E280] =	vst v63  }
0x99: {  	s4 =	simm.s32 $0xFA80;
	v3 =	vadd.s32 v1, v3  }
0x9a: {  	[tilespmem:s4], [sflag:$0x3] =	stream.indirect_vreg.gather [hbm4b:s5+s3], $0x80, v4, vm0, $0xb8;
	[tilespmem:$0x1E280] =	vst v63  }
0x9b: {  	s4 =	simm.s32 $0x10280  }
0x9c: {  	[tilespmem:s4], [sflag:$0x3] =	stream.indirect_vreg.gather [hbm4b:s6+s3], $0x80, v4, vm0, $0xb8;
	[tilespmem:$0x1E280] =	vst v63  }
0x9d: {  	s4 =	simm.s32 $0x10A80  }
0x9e: {  	[tilespmem:s4], [sflag:$0x3] =	stream.indirect_vreg.gather [hbm4b:s1+s3], $0x80, v3, vm0, $0xb8;
	[tilespmem:$0x1E280] =	vst v63  }
0x9f: {  	s4 =	simm.s32 $0x11280  }
0xa0: {  	[tilespmem:s4], [sflag:$0x3] =	stream.indirect_vreg.gather [hbm4b:s5+s3], $0x80, v3, vm0, $0xb8;
	[tilespmem:$0x1E280] =	vst v63  }
0xa1: {  	s4 =	simm.s32 $0x11A80  }
0xa2: {  	[tilespmem:s4], [sflag:$0x3] =	stream.indirect_vreg.gather [hbm4b:s6+s3], $0x80, v3, vm0, $0xb8;
	[tilespmem:$0x1E280] =	vst v63  }
0xa3: {  	v3 =	vld [tilespmem:$0x60];
	_ =	sdelay $0x4  }
0xa4: {  	v27 =	vshrl.u32 v3, $0x3  }
0xa5: {  	v4 =	vmul.u32 $0x30, v27  }
0xa6: {  	v3 =	vand.u32 $0x7, v3  }
0xa7: {  	v3 =	vor.u32 v3, v4  }
0xa8: {  	v4 =	vperm.xlane v3, v0;
	_ =	sdelay $0x1  }
0xa9: {  	v4 =	vadd.s32 v1, v4;
	_ =	sdelay $0x3  }
0xaa: {  	s4 =	simm.s32 $0x12280;
	v3 =	vperm.xlane v3, v2  }
0xab: {  	[tilespmem:s4], [sflag:$0x3] =	stream.indirect_vreg.gather [hbm4b:s1+s3], $0x80, v4, vm0, $0xb8;
	[tilespmem:$0x1E280] =	vst v63  }
0xac: {  	v3 =	vadd.s32 v1, v3;
	s4 =	simm.s32 $0x12A80  }
0xad: {  	[tilespmem:s4], [sflag:$0x3] =	stream.indirect_vreg.gather [hbm4b:s5+s3], $0x80, v4, vm0, $0xb8;
	[tilespmem:$0x1E280] =	vst v63  }
0xae: {  	s4 =	simm.s32 $0x13280  }
0xaf: {  	[tilespmem:s4], [sflag:$0x3] =	stream.indirect_vreg.gather [hbm4b:s6+s3], $0x80, v4, vm0, $0xb8;
	[tilespmem:$0x1E280] =	vst v63  }
0xb0: {  	s4 =	simm.s32 $0x13A80  }
0xb1: {  	[tilespmem:s4], [sflag:$0x3] =	stream.indirect_vreg.gather [hbm4b:s1+s3], $0x80, v3, vm0, $0xb8;
	[tilespmem:$0x1E280] =	vst v63  }
0xb2: {  	s4 =	simm.s32 $0x14280  }
0xb3: {  	[tilespmem:s4], [sflag:$0x3] =	stream.indirect_vreg.gather [hbm4b:s5+s3], $0x80, v3, vm0, $0xb8;
	[tilespmem:$0x1E280] =	vst v63  }
0xb4: {  	s4 =	simm.s32 $0x14A80  }
0xb5: {  	[tilespmem:s4], [sflag:$0x3] =	stream.indirect_vreg.gather [hbm4b:s6+s3], $0x80, v3, vm0, $0xb8;
	[tilespmem:$0x1E280] =	vst v63  }
0xb6: {  	v3 =	vld.msk [tilespmem:$0x70], $0xff;
	_ =	sdelay $0x4  }
0xb7: {  	v28 =	vshrl.u32 v3, $0x3  }
0xb8: {  	v4 =	vmul.u32 $0x30, v28  }
0xb9: {  	v3 =	vand.u32 $0x7, v3  }
0xba: {  	v3 =	vor.u32 v3, v4  }
0xbb: {  	v3 =	vperm.xlane v3, v0;
	_ =	sdelay $0x1  }
0xbc: {  	v3 =	vadd.s32 v1, v3;
	_ =	sdelay $0x3  }
0xbd: {  	s4 =	simm.s32 $0x15280  }
0xbe: {  	[tilespmem:s4], [sflag:$0x3] =	stream.indirect_vreg.gather [hbm4b:s1+s3], $0x80, v3, vm0, $0xb8;
	[tilespmem:$0x1E280] =	vst v63  }
0xbf: {  	s4 =	simm.s32 $0x15A80  }
0xc0: {  	[tilespmem:s4], [sflag:$0x3] =	stream.indirect_vreg.gather [hbm4b:s5+s3], $0x80, v3, vm0, $0xb8;
	[tilespmem:$0x1E280] =	vst v63  }
0xc1: {  	s4 =	simm.s32 $0x16280  }
0xc2: {  	[tilespmem:s4], [sflag:$0x3] =	stream.indirect_vreg.gather [hbm4b:s6+s3], $0x80, v3, vm0, $0xb8;
	[tilespmem:$0x1E280] =	vst v63  }
0xc3: {  	_ =	swait.ge [sflag:s23], $0x7800  }
0xc4: {  	[sflag:s23] =	ssyncset.done $0x0  }
0xc5: {  	s4 =	rddreg [dreg:$0x15];
	[sflag:s23] =	ssyncadd.s32 $0xFFFF8800  }
0xc6: {  	[hbm4b:s4+s3] =	stream.linear.scatter [tilespmem:s24], [sflag:$0x5], $0x7800, $0x38;
	[tilespmem:$0x1E280] =	vst v63  }
0xc7: {  	v3 =	vld [tilespmem:$0x78];
	_ =	sdelay $0x4  }
0xc8: {  	v29 =	vshrl.u32 v3, $0x3  }
0xc9: {  	v4 =	vmul.u32 $0x30, v29  }
0xca: {  	v3 =	vand.u32 $0x7, v3  }
0xcb: {  	v3 =	vor.u32 v3, v4  }
0xcc: {  	v4 =	vperm.xlane v3, v0;
	_ =	sdelay $0x1  }
0xcd: {  	v4 =	vadd.s32 v1, v4;
	_ =	sdelay $0x3  }
0xce: {  	v3 =	vperm.xlane v3, v2  }
0xcf: {  	[tilespmem:s15], [sflag:$0x4] =	stream.indirect_vreg.gather [hbm4b:s1+s3], $0x80, v4, vm0, $0xb8;
	[tilespmem:$0x1E280] =	vst v63  }
0xd0: {  	s4 =	simm.s32 $0x17280;
	v3 =	vadd.s32 v1, v3  }
0xd1: {  	[tilespmem:s4], [sflag:$0x4] =	stream.indirect_vreg.gather [hbm4b:s5+s3], $0x80, v4, vm0, $0xb8;
	[tilespmem:$0x1E280] =	vst v63  }
0xd2: {  	s4 =	simm.s32 $0x17A80  }
0xd3: {  	[tilespmem:s4], [sflag:$0x4] =	stream.indirect_vreg.gather [hbm4b:s6+s3], $0x80, v4, vm0, $0xb8;
	[tilespmem:$0x1E280] =	vst v63  }
0xd4: {  	s4 =	simm.s32 $0x18280  }
0xd5: {  	[tilespmem:s4], [sflag:$0x4] =	stream.indirect_vreg.gather [hbm4b:s1+s3], $0x80, v3, vm0, $0xb8;
	[tilespmem:$0x1E280] =	vst v63  }
0xd6: {  	s4 =	simm.s32 $0x18A80  }
0xd7: {  	[tilespmem:s4], [sflag:$0x4] =	stream.indirect_vreg.gather [hbm4b:s5+s3], $0x80, v3, vm0, $0xb8;
	[tilespmem:$0x1E280] =	vst v63  }
0xd8: {  	s4 =	simm.s32 $0x19280  }
0xd9: {  	[tilespmem:s4], [sflag:$0x4] =	stream.indirect_vreg.gather [hbm4b:s6+s3], $0x80, v3, vm0, $0xb8;
	[tilespmem:$0x1E280] =	vst v63  }
0xda: {  	v3 =	vld [tilespmem:$0x88];
	_ =	sdelay $0x4  }
0xdb: {  	v30 =	vshrl.u32 v3, $0x3  }
0xdc: {  	v4 =	vmul.u32 $0x30, v30  }
0xdd: {  	v3 =	vand.u32 $0x7, v3  }
0xde: {  	v3 =	vor.u32 v3, v4  }
0xdf: {  	v4 =	vperm.xlane v3, v0;
	_ =	sdelay $0x1  }
0xe0: {  	v4 =	vadd.s32 v1, v4;
	_ =	sdelay $0x3  }
0xe1: {  	s4 =	simm.s32 $0x19A80;
	v3 =	vperm.xlane v3, v2  }
0xe2: {  	[tilespmem:s4], [sflag:$0x4] =	stream.indirect_vreg.gather [hbm4b:s1+s3], $0x80, v4, vm0, $0xb8;
	[tilespmem:$0x1E280] =	vst v63  }
0xe3: {  	v3 =	vadd.s32 v1, v3;
	s4 =	simm.s32 $0x1A280  }
0xe4: {  	[tilespmem:s4], [sflag:$0x4] =	stream.indirect_vreg.gather [hbm4b:s5+s3], $0x80, v4, vm0, $0xb8;
	[tilespmem:$0x1E280] =	vst v63  }
0xe5: {  	s4 =	simm.s32 $0x1AA80  }
0xe6: {  	[tilespmem:s4], [sflag:$0x4] =	stream.indirect_vreg.gather [hbm4b:s6+s3], $0x80, v4, vm0, $0xb8;
	[tilespmem:$0x1E280] =	vst v63  }
0xe7: {  	s4 =	simm.s32 $0x1B280  }
0xe8: {  	[tilespmem:s4], [sflag:$0x4] =	stream.indirect_vreg.gather [hbm4b:s1+s3], $0x80, v3, vm0, $0xb8;
	[tilespmem:$0x1E280] =	vst v63  }
0xe9: {  	s4 =	simm.s32 $0x1BA80  }
0xea: {  	[tilespmem:s4], [sflag:$0x4] =	stream.indirect_vreg.gather [hbm4b:s5+s3], $0x80, v3, vm0, $0xb8;
	[tilespmem:$0x1E280] =	vst v63  }
0xeb: {  	s4 =	simm.s32 $0x1C280  }
0xec: {  	[tilespmem:s4], [sflag:$0x4] =	stream.indirect_vreg.gather [hbm4b:s6+s3], $0x80, v3, vm0, $0xb8;
	[tilespmem:$0x1E280] =	vst v63  }
0xed: {  	v3 =	vld.msk [tilespmem:$0x98], $0xff;
	_ =	sdelay $0x4  }
0xee: {  	v31 =	vshrl.u32 v3, $0x3  }
0xef: {  	v4 =	vmul.u32 $0x30, v31  }
0xf0: {  	v3 =	vand.u32 $0x7, v3  }
0xf1: {  	v3 =	vor.u32 v3, v4  }
0xf2: {  	v3 =	vperm.xlane v3, v0;
	_ =	sdelay $0x1  }
0xf3: {  	v3 =	vadd.s32 v1, v3;
	_ =	sdelay $0x3  }
0xf4: {  	s4 =	simm.s32 $0x1CA80  }
0xf5: {  	[tilespmem:s4], [sflag:$0x4] =	stream.indirect_vreg.gather [hbm4b:s1+s3], $0x80, v3, vm0, $0xb8;
	[tilespmem:$0x1E280] =	vst v63  }
0xf6: {  	s4 =	simm.s32 $0x1D280  }
0xf7: {  	[tilespmem:s4], [sflag:$0x4] =	stream.indirect_vreg.gather [hbm4b:s5+s3], $0x80, v3, vm0, $0xb8;
	[tilespmem:$0x1E280] =	vst v63  }
0xf8: {  	s4 =	simm.s32 $0x1DA80  }
0xf9: {  	[tilespmem:s4], [sflag:$0x4] =	stream.indirect_vreg.gather [hbm4b:s6+s3], $0x80, v3, vm0, $0xb8;
	[tilespmem:$0x1E280] =	vst v63  }
0xfa: {  	_ =	swait.ge [sflag:s26], $0x7800  }
0xfb: {  	[sflag:s26] =	ssyncset.done $0x0  }
0xfc: {  	s4 =	rddreg [dreg:$0x5];
	[sflag:s26] =	ssyncadd.s32 $0xFFFF8800  }
0xfd: {  	[hbm4b:s4+s3] =	stream.linear.scatter [tilespmem:s14], [sflag:$0x6], $0x7800, $0x38;
	[tilespmem:$0x1E280] =	vst v63  }
0xfe: {  	_ =	swait.ge [sflag:s28], $0x7800  }
0xff: {  	[sflag:s28] =	ssyncset.done $0x0  }
0x100: {  	[sflag:s28] =	ssyncadd.s32 $0xFFFF8800  }
0x101: {  	v3 =	vld [tilespmem:$0xA0];
	_ =	sdelay $0x4  }
0x102: {  	v32 =	vshrl.u32 v3, $0x3  }
0x103: {  	v4 =	vmul.u32 $0x30, v32  }
0x104: {  	v3 =	vand.u32 $0x7, v3  }
0x105: {  	v3 =	vor.u32 v3, v4  }
0x106: {  	v4 =	vperm.xlane v3, v0;
	_ =	sdelay $0x1  }
0x107: {  	v4 =	vadd.s32 v1, v4;
	_ =	sdelay $0x3  }
0x108: {  	v3 =	vperm.xlane v3, v2  }
0x109: {  	[tilespmem:s24], [sflag:$0x1] =	stream.indirect_vreg.gather [hbm4b:s1+s3], $0x80, v4, vm0, $0xb8;
	[tilespmem:$0x1E280] =	vst v63  }
0x10a: {  	s16 =	simm.s32 $0xA80;
	v3 =	vadd.s32 v1, v3  }
0x10b: {  	[tilespmem:s16], [sflag:$0x1] =	stream.indirect_vreg.gather [hbm4b:s5+s3], $0x80, v4, vm0, $0xb8;
	[tilespmem:$0x1E280] =	vst v63  }
0x10c: {  	s21 =	simm.s32 $0x1280  }
0x10d: {  	[tilespmem:s21], [sflag:$0x1] =	stream.indirect_vreg.gather [hbm4b:s6+s3], $0x80, v4, vm0, $0xb8;
	[tilespmem:$0x1E280] =	vst v63  }
0x10e: {  	s22 =	simm.s32 $0x1A80  }
0x10f: {  	[tilespmem:s22], [sflag:$0x1] =	stream.indirect_vreg.gather [hbm4b:s1+s3], $0x80, v3, vm0, $0xb8;
	[tilespmem:$0x1E280] =	vst v63  }
0x110: {  	s25 =	simm.s32 $0x2280  }
0x111: {  	[tilespmem:s25], [sflag:$0x1] =	stream.indirect_vreg.gather [hbm4b:s5+s3], $0x80, v3, vm0, $0xb8;
	[tilespmem:$0x1E280] =	vst v63  }
0x112: {  	s11 =	simm.s32 $0x2A80  }
0x113: {  	[tilespmem:s11], [sflag:$0x1] =	stream.indirect_vreg.gather [hbm4b:s6+s3], $0x80, v3, vm0, $0xb8;
	[tilespmem:$0x1E280] =	vst v63  }
0x114: {  	v3 =	vld [tilespmem:$0xB0];
	_ =	sdelay $0x4  }
0x115: {  	v33 =	vshrl.u32 v3, $0x3  }
0x116: {  	v4 =	vmul.u32 $0x30, v33  }
0x117: {  	v3 =	vand.u32 $0x7, v3  }
0x118: {  	v3 =	vor.u32 v3, v4  }
0x119: {  	v4 =	vperm.xlane v3, v0;
	_ =	sdelay $0x1  }
0x11a: {  	v4 =	vadd.s32 v1, v4;
	_ =	sdelay $0x3  }
0x11b: {  	s12 =	simm.s32 $0x3280;
	v3 =	vperm.xlane v3, v2  }
0x11c: {  	[tilespmem:s12], [sflag:$0x1] =	stream.indirect_vreg.gather [hbm4b:s1+s3], $0x80, v4, vm0, $0xb8;
	[tilespmem:$0x1E280] =	vst v63  }
0x11d: {  	s17 =	simm.s32 $0x3A80;
	v3 =	vadd.s32 v1, v3  }
0x11e: {  	[tilespmem:s17], [sflag:$0x1] =	stream.indirect_vreg.gather [hbm4b:s5+s3], $0x80, v4, vm0, $0xb8;
	[tilespmem:$0x1E280] =	vst v63  }
0x11f: {  	s18 =	simm.s32 $0x4280  }
0x120: {  	[tilespmem:s18], [sflag:$0x1] =	stream.indirect_vreg.gather [hbm4b:s6+s3], $0x80, v4, vm0, $0xb8;
	[tilespmem:$0x1E280] =	vst v63  }
0x121: {  	s19 =	simm.s32 $0x4A80  }
0x122: {  	[tilespmem:s19], [sflag:$0x1] =	stream.indirect_vreg.gather [hbm4b:s1+s3], $0x80, v3, vm0, $0xb8;
	[tilespmem:$0x1E280] =	vst v63  }
0x123: {  	s20 =	simm.s32 $0x5280  }
0x124: {  	[tilespmem:s20], [sflag:$0x1] =	stream.indirect_vreg.gather [hbm4b:s5+s3], $0x80, v3, vm0, $0xb8;
	[tilespmem:$0x1E280] =	vst v63  }
0x125: {  	s13 =	simm.s32 $0x5A80  }
0x126: {  	[tilespmem:s13], [sflag:$0x1] =	stream.indirect_vreg.gather [hbm4b:s6+s3], $0x80, v3, vm0, $0xb8;
	[tilespmem:$0x1E280] =	vst v63  }
0x127: {  	v3 =	vld.msk [tilespmem:$0xC0], $0xff;
	_ =	sdelay $0x4  }
0x128: {  	v34 =	vshrl.u32 v3, $0x3  }
0x129: {  	v4 =	vmul.u32 $0x30, v34  }
0x12a: {  	v3 =	vand.u32 $0x7, v3  }
0x12b: {  	v3 =	vor.u32 v3, v4  }
0x12c: {  	v3 =	vperm.xlane v3, v0;
	_ =	sdelay $0x1  }
0x12d: {  	v3 =	vadd.s32 v1, v3;
	_ =	sdelay $0x3  }
0x12e: {  	s22 =	simm.s32 $0x6280  }
0x12f: {  	[tilespmem:s22], [sflag:$0x1] =	stream.indirect_vreg.gather [hbm4b:s1+s3], $0x80, v3, vm0, $0xb8;
	[tilespmem:$0x1E280] =	vst v63  }
0x130: {  	s10 =	simm.s32 $0x6A80  }
0x131: {  	[tilespmem:s10], [sflag:$0x1] =	stream.indirect_vreg.gather [hbm4b:s5+s3], $0x80, v3, vm0, $0xb8;
	[tilespmem:$0x1E280] =	vst v63  }
0x132: {  	s8 =	simm.s32 $0x7280  }
0x133: {  	[tilespmem:s8], [sflag:$0x1] =	stream.indirect_vreg.gather [hbm4b:s6+s3], $0x80, v3, vm0, $0xb8;
	[tilespmem:$0x1E280] =	vst v63  }
0x134: {  	_ =	swait.ge [sflag:s29], $0x7800  }
0x135: {  	[sflag:s29] =	ssyncset.done $0x0  }
0x136: {  	s25 =	rddreg [dreg:$0x6];
	[sflag:s29] =	ssyncadd.s32 $0xFFFF8800  }
0x137: {  	[hbm4b:s25+s3] =	stream.linear.scatter [tilespmem:s9], [sflag:$0x7], $0x7800, $0x38;
	[tilespmem:$0x1E280] =	vst v63  }
0x138: {  	_ =	swait.ge [sflag:s30], $0x7800  }
0x139: {  	[sflag:s30] =	ssyncset.done $0x0  }
0x13a: {  	[sflag:s30] =	ssyncadd.s32 $0xFFFF8800  }
0x13b: {  	v3 =	vld [tilespmem:$0xC8];
	_ =	sdelay $0x4  }
0x13c: {  	v35 =	vshrl.u32 v3, $0x3  }
0x13d: {  	v4 =	vmul.u32 $0x30, v35  }
0x13e: {  	v3 =	vand.u32 $0x7, v3  }
0x13f: {  	v3 =	vor.u32 v3, v4  }
0x140: {  	v4 =	vperm.xlane v3, v0;
	_ =	sdelay $0x1  }
0x141: {  	v4 =	vadd.s32 v1, v4;
	_ =	sdelay $0x3  }
0x142: {  	v3 =	vperm.xlane v3, v2  }
0x143: {  	[tilespmem:s14], [sflag:$0x2] =	stream.indirect_vreg.gather [hbm4b:s1+s3], $0x80, v4, vm0, $0xb8;
	[tilespmem:$0x1E280] =	vst v63  }
0x144: {  	s8 =	simm.s32 $0x8280;
	v3 =	vadd.s32 v1, v3  }
0x145: {  	[tilespmem:s8], [sflag:$0x2] =	stream.indirect_vreg.gather [hbm4b:s5+s3], $0x80, v4, vm0, $0xb8;
	[tilespmem:$0x1E280] =	vst v63  }
0x146: {  	s10 =	simm.s32 $0x8A80  }
0x147: {  	[tilespmem:s10], [sflag:$0x2] =	stream.indirect_vreg.gather [hbm4b:s6+s3], $0x80, v4, vm0, $0xb8;
	[tilespmem:$0x1E280] =	vst v63  }
0x148: {  	s11 =	simm.s32 $0x9280  }
0x149: {  	[tilespmem:s11], [sflag:$0x2] =	stream.indirect_vreg.gather [hbm4b:s1+s3], $0x80, v3, vm0, $0xb8;
	[tilespmem:$0x1E280] =	vst v63  }
0x14a: {  	s12 =	simm.s32 $0x9A80  }
0x14b: {  	[tilespmem:s12], [sflag:$0x2] =	stream.indirect_vreg.gather [hbm4b:s5+s3], $0x80, v3, vm0, $0xb8;
	[tilespmem:$0x1E280] =	vst v63  }
0x14c: {  	s13 =	simm.s32 $0xA280  }
0x14d: {  	[tilespmem:s13], [sflag:$0x2] =	stream.indirect_vreg.gather [hbm4b:s6+s3], $0x80, v3, vm0, $0xb8;
	[tilespmem:$0x1E280] =	vst v63  }
0x14e: {  	v3 =	vld [tilespmem:$0xD8];
	_ =	sdelay $0x4  }
0x14f: {  	v36 =	vshrl.u32 v3, $0x3  }
0x150: {  	v4 =	vmul.u32 $0x30, v36  }
0x151: {  	v3 =	vand.u32 $0x7, v3  }
0x152: {  	v3 =	vor.u32 v3, v4  }
0x153: {  	v4 =	vperm.xlane v3, v0;
	_ =	sdelay $0x1  }
0x154: {  	v4 =	vadd.s32 v1, v4;
	_ =	sdelay $0x3  }
0x155: {  	s16 =	simm.s32 $0xAA80;
	v3 =	vperm.xlane v3, v2  }
0x156: {  	[tilespmem:s16], [sflag:$0x2] =	stream.indirect_vreg.gather [hbm4b:s1+s3], $0x80, v4, vm0, $0xb8;
	[tilespmem:$0x1E280] =	vst v63  }
0x157: {  	s17 =	simm.s32 $0xB280;
	v3 =	vadd.s32 v1, v3  }
0x158: {  	[tilespmem:s17], [sflag:$0x2] =	stream.indirect_vreg.gather [hbm4b:s5+s3], $0x80, v4, vm0, $0xb8;
	[tilespmem:$0x1E280] =	vst v63  }
0x159: {  	s18 =	simm.s32 $0xBA80  }
0x15a: {  	[tilespmem:s18], [sflag:$0x2] =	stream.indirect_vreg.gather [hbm4b:s6+s3], $0x80, v4, vm0, $0xb8;
	[tilespmem:$0x1E280] =	vst v63  }
0x15b: {  	s19 =	simm.s32 $0xC280  }
0x15c: {  	[tilespmem:s19], [sflag:$0x2] =	stream.indirect_vreg.gather [hbm4b:s1+s3], $0x80, v3, vm0, $0xb8;
	[tilespmem:$0x1E280] =	vst v63  }
0x15d: {  	s20 =	simm.s32 $0xCA80  }
0x15e: {  	[tilespmem:s20], [sflag:$0x2] =	stream.indirect_vreg.gather [hbm4b:s5+s3], $0x80, v3, vm0, $0xb8;
	[tilespmem:$0x1E280] =	vst v63  }
0x15f: {  	s21 =	simm.s32 $0xD280  }
0x160: {  	[tilespmem:s21], [sflag:$0x2] =	stream.indirect_vreg.gather [hbm4b:s6+s3], $0x80, v3, vm0, $0xb8;
	[tilespmem:$0x1E280] =	vst v63  }
0x161: {  	v3 =	vld.msk [tilespmem:$0xE8], $0xff;
	_ =	sdelay $0x4  }
0x162: {  	v37 =	vshrl.u32 v3, $0x3  }
0x163: {  	v4 =	vmul.u32 $0x30, v37  }
0x164: {  	v3 =	vand.u32 $0x7, v3  }
0x165: {  	v3 =	vor.u32 v3, v4  }
0x166: {  	v3 =	vperm.xlane v3, v0;
	_ =	sdelay $0x1  }
0x167: {  	v3 =	vadd.s32 v1, v3;
	_ =	sdelay $0x3  }
0x168: {  	s22 =	simm.s32 $0xDA80  }
0x169: {  	[tilespmem:s22], [sflag:$0x2] =	stream.indirect_vreg.gather [hbm4b:s1+s3], $0x80, v3, vm0, $0xb8;
	[tilespmem:$0x1E280] =	vst v63  }
0x16a: {  	s25 =	simm.s32 $0xE280  }
0x16b: {  	[tilespmem:s25], [sflag:$0x2] =	stream.indirect_vreg.gather [hbm4b:s5+s3], $0x80, v3, vm0, $0xb8;
	[tilespmem:$0x1E280] =	vst v63  }
0x16c: {  	s8 =	simm.s32 $0xEA80  }
0x16d: {  	[tilespmem:s8], [sflag:$0x2] =	stream.indirect_vreg.gather [hbm4b:s6+s3], $0x80, v3, vm0, $0xb8;
	[tilespmem:$0x1E280] =	vst v63  }
0x16e: {  	_ =	swait.ge [sflag:s31], $0x7800  }
0x16f: {  	[sflag:s31] =	ssyncset.done $0x0  }
0x170: {  	s10 =	rddreg [dreg:$0x7];
	[sflag:s31] =	ssyncadd.s32 $0xFFFF8800  }
0x171: {  	[hbm4b:s10+s3] =	stream.linear.scatter [tilespmem:s15], [sflag:$0x8], $0x7800, $0x38;
	[tilespmem:$0x1E280] =	vst v63  }
0x172: {  	_ =	swait.ge [sflag:s2], $0x7800  }
0x173: {  	[sflag:s2] =	ssyncset.done $0x0  }
0x174: {  	[sflag:s2] =	ssyncadd.s32 $0xFFFF8800  }
0x175: {  	v3 =	vld [tilespmem:$0xF0];
	_ =	sdelay $0x4  }
0x176: {  	v38 =	vshrl.u32 v3, $0x3  }
0x177: {  	v4 =	vmul.u32 $0x30, v38  }
0x178: {  	v3 =	vand.u32 $0x7, v3  }
0x179: {  	v3 =	vor.u32 v3, v4  }
0x17a: {  	v4 =	vperm.xlane v3, v0;
	_ =	sdelay $0x1  }
0x17b: {  	v4 =	vadd.s32 v1, v4;
	_ =	sdelay $0x3  }
0x17c: {  	v3 =	vperm.xlane v3, v2  }
0x17d: {  	[tilespmem:s9], [sflag:$0x3] =	stream.indirect_vreg.gather [hbm4b:s1+s3], $0x80, v4, vm0, $0xb8;
	[tilespmem:$0x1E280] =	vst v63  }
0x17e: {  	s11 =	simm.s32 $0xFA80;
	v3 =	vadd.s32 v1, v3  }
0x17f: {  	[tilespmem:s11], [sflag:$0x3] =	stream.indirect_vreg.gather [hbm4b:s5+s3], $0x80, v4, vm0, $0xb8;
	[tilespmem:$0x1E280] =	vst v63  }
0x180: {  	s12 =	simm.s32 $0x10280  }
0x181: {  	[tilespmem:s12], [sflag:$0x3] =	stream.indirect_vreg.gather [hbm4b:s6+s3], $0x80, v4, vm0, $0xb8;
	[tilespmem:$0x1E280] =	vst v63  }
0x182: {  	s13 =	simm.s32 $0x10A80  }
0x183: {  	[tilespmem:s13], [sflag:$0x3] =	stream.indirect_vreg.gather [hbm4b:s1+s3], $0x80, v3, vm0, $0xb8;
	[tilespmem:$0x1E280] =	vst v63  }
0x184: {  	s16 =	simm.s32 $0x11280  }
0x185: {  	[tilespmem:s16], [sflag:$0x3] =	stream.indirect_vreg.gather [hbm4b:s5+s3], $0x80, v3, vm0, $0xb8;
	[tilespmem:$0x1E280] =	vst v63  }
0x186: {  	s17 =	simm.s32 $0x11A80  }
0x187: {  	[tilespmem:s17], [sflag:$0x3] =	stream.indirect_vreg.gather [hbm4b:s6+s3], $0x80, v3, vm0, $0xb8;
	[tilespmem:$0x1E280] =	vst v63  }
0x188: {  	v3 =	vld [tilespmem:$0x100];
	_ =	sdelay $0x4  }
0x189: {  	v39 =	vshrl.u32 v3, $0x3  }
0x18a: {  	v4 =	vmul.u32 $0x30, v39  }
0x18b: {  	v3 =	vand.u32 $0x7, v3  }
0x18c: {  	v3 =	vor.u32 v3, v4  }
0x18d: {  	v4 =	vperm.xlane v3, v0;
	_ =	sdelay $0x1  }
0x18e: {  	v4 =	vadd.s32 v1, v4;
	_ =	sdelay $0x3  }
0x18f: {  	s18 =	simm.s32 $0x12280;
	v3 =	vperm.xlane v3, v2  }
0x190: {  	[tilespmem:s18], [sflag:$0x3] =	stream.indirect_vreg.gather [hbm4b:s1+s3], $0x80, v4, vm0, $0xb8;
	[tilespmem:$0x1E280] =	vst v63  }
0x191: {  	s19 =	simm.s32 $0x12A80;
	v3 =	vadd.s32 v1, v3  }
0x192: {  	[tilespmem:s19], [sflag:$0x3] =	stream.indirect_vreg.gather [hbm4b:s5+s3], $0x80, v4, vm0, $0xb8;
	[tilespmem:$0x1E280] =	vst v63  }
0x193: {  	s20 =	simm.s32 $0x13280  }
0x194: {  	[tilespmem:s20], [sflag:$0x3] =	stream.indirect_vreg.gather [hbm4b:s6+s3], $0x80, v4, vm0, $0xb8;
	[tilespmem:$0x1E280] =	vst v63  }
0x195: {  	s8 =	simm.s32 $0x13A80  }
0x196: {  	[tilespmem:s8], [sflag:$0x3] =	stream.indirect_vreg.gather [hbm4b:s1+s3], $0x80, v3, vm0, $0xb8;
	[tilespmem:$0x1E280] =	vst v63  }
0x197: {  	s10 =	simm.s32 $0x14280  }
0x198: {  	[tilespmem:s10], [sflag:$0x3] =	stream.indirect_vreg.gather [hbm4b:s5+s3], $0x80, v3, vm0, $0xb8;
	[tilespmem:$0x1E280] =	vst v63  }
0x199: {  	s11 =	simm.s32 $0x14A80  }
0x19a: {  	[tilespmem:s11], [sflag:$0x3] =	stream.indirect_vreg.gather [hbm4b:s6+s3], $0x80, v3, vm0, $0xb8;
	[tilespmem:$0x1E280] =	vst v63  }
0x19b: {  	v3 =	vld.msk [tilespmem:$0x110], $0xff;
	_ =	sdelay $0x4  }
0x19c: {  	v40 =	vshrl.u32 v3, $0x3  }
0x19d: {  	v4 =	vmul.u32 $0x30, v40  }
0x19e: {  	v3 =	vand.u32 $0x7, v3  }
0x19f: {  	v3 =	vor.u32 v3, v4  }
0x1a0: {  	v3 =	vperm.xlane v3, v0;
	_ =	sdelay $0x1  }
0x1a1: {  	v3 =	vadd.s32 v1, v3;
	_ =	sdelay $0x3  }
0x1a2: {  	s12 =	simm.s32 $0x15280  }
0x1a3: {  	[tilespmem:s12], [sflag:$0x3] =	stream.indirect_vreg.gather [hbm4b:s1+s3], $0x80, v3, vm0, $0xb8;
	[tilespmem:$0x1E280] =	vst v63  }
0x1a4: {  	s13 =	simm.s32 $0x15A80  }
0x1a5: {  	[tilespmem:s13], [sflag:$0x3] =	stream.indirect_vreg.gather [hbm4b:s5+s3], $0x80, v3, vm0, $0xb8;
	[tilespmem:$0x1E280] =	vst v63  }
0x1a6: {  	s16 =	simm.s32 $0x16280  }
0x1a7: {  	[tilespmem:s16], [sflag:$0x3] =	stream.indirect_vreg.gather [hbm4b:s6+s3], $0x80, v3, vm0, $0xb8;
	[tilespmem:$0x1E280] =	vst v63  }
0x1a8: {  	_ =	swait.ge [sflag:s23], $0x7800  }
0x1a9: {  	[sflag:s23] =	ssyncset.done $0x0  }
0x1aa: {  	s17 =	rddreg [dreg:$0x8];
	[sflag:s23] =	ssyncadd.s32 $0xFFFF8800  }
0x1ab: {  	[hbm4b:s17+s3] =	stream.linear.scatter [tilespmem:s24], [sflag:$0x5], $0x7800, $0x38;
	[tilespmem:$0x1E280] =	vst v63  }
0x1ac: {  	_ =	swait.ge [sflag:s0], $0x7800  }
0x1ad: {  	[sflag:s0] =	ssyncset.done $0x0  }
0x1ae: {  	[sflag:s0] =	ssyncadd.s32 $0xFFFF8800  }
0x1af: {  	v3 =	vld [tilespmem:$0x118];
	_ =	sdelay $0x4  }
0x1b0: {  	v41 =	vshrl.u32 v3, $0x3  }
0x1b1: {  	v4 =	vmul.u32 $0x30, v41  }
0x1b2: {  	v3 =	vand.u32 $0x7, v3  }
0x1b3: {  	v3 =	vor.u32 v3, v4  }
0x1b4: {  	v4 =	vperm.xlane v3, v0;
	_ =	sdelay $0x1  }
0x1b5: {  	v4 =	vadd.s32 v1, v4;
	_ =	sdelay $0x3  }
0x1b6: {  	v3 =	vperm.xlane v3, v2  }
0x1b7: {  	[tilespmem:s15], [sflag:$0x4] =	stream.indirect_vreg.gather [hbm4b:s1+s3], $0x80, v4, vm0, $0xb8;
	[tilespmem:$0x1E280] =	vst v63  }
0x1b8: {  	s18 =	simm.s32 $0x17280;
	v3 =	vadd.s32 v1, v3  }
0x1b9: {  	[tilespmem:s18], [sflag:$0x4] =	stream.indirect_vreg.gather [hbm4b:s5+s3], $0x80, v4, vm0, $0xb8;
	[tilespmem:$0x1E280] =	vst v63  }
0x1ba: {  	s19 =	simm.s32 $0x17A80  }
0x1bb: {  	[tilespmem:s19], [sflag:$0x4] =	stream.indirect_vreg.gather [hbm4b:s6+s3], $0x80, v4, vm0, $0xb8;
	[tilespmem:$0x1E280] =	vst v63  }
0x1bc: {  	s20 =	simm.s32 $0x18280  }
0x1bd: {  	[tilespmem:s20], [sflag:$0x4] =	stream.indirect_vreg.gather [hbm4b:s1+s3], $0x80, v3, vm0, $0xb8;
	[tilespmem:$0x1E280] =	vst v63  }
0x1be: {  	s8 =	simm.s32 $0x18A80  }
0x1bf: {  	[tilespmem:s8], [sflag:$0x4] =	stream.indirect_vreg.gather [hbm4b:s5+s3], $0x80, v3, vm0, $0xb8;
	[tilespmem:$0x1E280] =	vst v63  }
0x1c0: {  	s10 =	simm.s32 $0x19280  }
0x1c1: {  	[tilespmem:s10], [sflag:$0x4] =	stream.indirect_vreg.gather [hbm4b:s6+s3], $0x80, v3, vm0, $0xb8;
	[tilespmem:$0x1E280] =	vst v63  }
0x1c2: {  	v3 =	vld [tilespmem:$0x128];
	_ =	sdelay $0x4  }
0x1c3: {  	v42 =	vshrl.u32 v3, $0x3  }
0x1c4: {  	v4 =	vmul.u32 $0x30, v42  }
0x1c5: {  	v3 =	vand.u32 $0x7, v3  }
0x1c6: {  	v3 =	vor.u32 v3, v4  }
0x1c7: {  	v4 =	vperm.xlane v3, v0;
	_ =	sdelay $0x1  }
0x1c8: {  	v4 =	vadd.s32 v1, v4;
	_ =	sdelay $0x3  }
0x1c9: {  	s11 =	simm.s32 $0x19A80;
	v3 =	vperm.xlane v3, v2  }
0x1ca: {  	[tilespmem:s11], [sflag:$0x4] =	stream.indirect_vreg.gather [hbm4b:s1+s3], $0x80, v4, vm0, $0xb8;
	[tilespmem:$0x1E280] =	vst v63  }
0x1cb: {  	s13 =	simm.s32 $0x1A280;
	v3 =	vadd.s32 v1, v3  }
0x1cc: {  	[tilespmem:s13], [sflag:$0x4] =	stream.indirect_vreg.gather [hbm4b:s5+s3], $0x80, v4, vm0, $0xb8;
	[tilespmem:$0x1E280] =	vst v63  }
0x1cd: {  	s16 =	simm.s32 $0x1AA80  }
0x1ce: {  	[tilespmem:s16], [sflag:$0x4] =	stream.indirect_vreg.gather [hbm4b:s6+s3], $0x80, v4, vm0, $0xb8;
	[tilespmem:$0x1E280] =	vst v63  }
0x1cf: {  	s17 =	simm.s32 $0x1B280  }
0x1d0: {  	[tilespmem:s17], [sflag:$0x4] =	stream.indirect_vreg.gather [hbm4b:s1+s3], $0x80, v3, vm0, $0xb8;
	[tilespmem:$0x1E280] =	vst v63  }
0x1d1: {  	s18 =	simm.s32 $0x1BA80  }
0x1d2: {  	[tilespmem:s18], [sflag:$0x4] =	stream.indirect_vreg.gather [hbm4b:s5+s3], $0x80, v3, vm0, $0xb8;
	[tilespmem:$0x1E280] =	vst v63  }
0x1d3: {  	s19 =	simm.s32 $0x1C280  }
0x1d4: {  	[tilespmem:s19], [sflag:$0x4] =	stream.indirect_vreg.gather [hbm4b:s6+s3], $0x80, v3, vm0, $0xb8;
	[tilespmem:$0x1E280] =	vst v63  }
0x1d5: {  	v3 =	vld.msk [tilespmem:$0x138], $0xff;
	_ =	sdelay $0x4  }
0x1d6: {  	v43 =	vshrl.u32 v3, $0x3  }
0x1d7: {  	v4 =	vmul.u32 $0x30, v43  }
0x1d8: {  	v3 =	vand.u32 $0x7, v3  }
0x1d9: {  	v3 =	vor.u32 v3, v4  }
0x1da: {  	v3 =	vperm.xlane v3, v0;
	_ =	sdelay $0x1  }
0x1db: {  	v3 =	vadd.s32 v1, v3;
	_ =	sdelay $0x3  }
0x1dc: {  	s20 =	simm.s32 $0x1CA80  }
0x1dd: {  	[tilespmem:s20], [sflag:$0x4] =	stream.indirect_vreg.gather [hbm4b:s1+s3], $0x80, v3, vm0, $0xb8;
	[tilespmem:$0x1E280] =	vst v63  }
0x1de: {  	s8 =	simm.s32 $0x1D280  }
0x1df: {  	[tilespmem:s8], [sflag:$0x4] =	stream.indirect_vreg.gather [hbm4b:s5+s3], $0x80, v3, vm0, $0xb8;
	[tilespmem:$0x1E280] =	vst v63  }
0x1e0: {  	s10 =	simm.s32 $0x1DA80  }
0x1e1: {  	[tilespmem:s10], [sflag:$0x4] =	stream.indirect_vreg.gather [hbm4b:s6+s3], $0x80, v3, vm0, $0xb8;
	[tilespmem:$0x1E280] =	vst v63  }
0x1e2: {  	_ =	swait.ge [sflag:s26], $0x7800  }
0x1e3: {  	[sflag:s26] =	ssyncset.done $0x0  }
0x1e4: {  	s11 =	rddreg [dreg:$0x9];
	[sflag:s26] =	ssyncadd.s32 $0xFFFF8800  }
0x1e5: {  	[hbm4b:s11+s3] =	stream.linear.scatter [tilespmem:s14], [sflag:$0x6], $0x7800, $0x38;
	[tilespmem:$0x1E280] =	vst v63  }
0x1e6: {  	_ =	swait.ge [sflag:s28], $0x7800  }
0x1e7: {  	[sflag:s28] =	ssyncset.done $0x0  }
0x1e8: {  	[sflag:s28] =	ssyncadd.s32 $0xFFFF8800  }
0x1e9: {  	v3 =	vld [tilespmem:$0x140];
	_ =	sdelay $0x4  }
0x1ea: {  	v44 =	vshrl.u32 v3, $0x3  }
0x1eb: {  	v4 =	vmul.u32 $0x30, v44  }
0x1ec: {  	v3 =	vand.u32 $0x7, v3  }
0x1ed: {  	v3 =	vor.u32 v3, v4  }
0x1ee: {  	v4 =	vperm.xlane v3, v0;
	_ =	sdelay $0x1  }
0x1ef: {  	v4 =	vadd.s32 v1, v4;
	_ =	sdelay $0x3  }
0x1f0: {  	v3 =	vperm.xlane v3, v2  }
0x1f1: {  	[tilespmem:s24], [sflag:$0x1] =	stream.indirect_vreg.gather [hbm4b:s1+s3], $0x80, v4, vm0, $0xb8;
	[tilespmem:$0x1E280] =	vst v63  }
0x1f2: {  	s8 =	simm.s32 $0xA80;
	v3 =	vadd.s32 v1, v3  }
0x1f3: {  	[tilespmem:s8], [sflag:$0x1] =	stream.indirect_vreg.gather [hbm4b:s5+s3], $0x80, v4, vm0, $0xb8;
	[tilespmem:$0x1E280] =	vst v63  }
0x1f4: {  	s10 =	simm.s32 $0x1280  }
0x1f5: {  	[tilespmem:s10], [sflag:$0x1] =	stream.indirect_vreg.gather [hbm4b:s6+s3], $0x80, v4, vm0, $0xb8;
	[tilespmem:$0x1E280] =	vst v63  }
0x1f6: {  	s11 =	simm.s32 $0x1A80  }
0x1f7: {  	[tilespmem:s11], [sflag:$0x1] =	stream.indirect_vreg.gather [hbm4b:s1+s3], $0x80, v3, vm0, $0xb8;
	[tilespmem:$0x1E280] =	vst v63  }
0x1f8: {  	s8 =	simm.s32 $0x2280  }
0x1f9: {  	[tilespmem:s8], [sflag:$0x1] =	stream.indirect_vreg.gather [hbm4b:s5+s3], $0x80, v3, vm0, $0xb8;
	[tilespmem:$0x1E280] =	vst v63  }
0x1fa: {  	s10 =	simm.s32 $0x2A80  }
0x1fb: {  	[tilespmem:s10], [sflag:$0x1] =	stream.indirect_vreg.gather [hbm4b:s6+s3], $0x80, v3, vm0, $0xb8;
	[tilespmem:$0x1E280] =	vst v63  }
0x1fc: {  	v3 =	vld [tilespmem:$0x150];
	_ =	sdelay $0x4  }
0x1fd: {  	v45 =	vshrl.u32 v3, $0x3  }
0x1fe: {  	v4 =	vmul.u32 $0x30, v45  }
0x1ff: {  	v3 =	vand.u32 $0x7, v3  }
0x200: {  	v3 =	vor.u32 v3, v4  }
0x201: {  	v4 =	vperm.xlane v3, v0;
	_ =	sdelay $0x1  }
0x202: {  	v4 =	vadd.s32 v1, v4;
	_ =	sdelay $0x3  }
0x203: {  	s11 =	simm.s32 $0x3280;
	v3 =	vperm.xlane v3, v2  }
0x204: {  	[tilespmem:s11], [sflag:$0x1] =	stream.indirect_vreg.gather [hbm4b:s1+s3], $0x80, v4, vm0, $0xb8;
	[tilespmem:$0x1E280] =	vst v63  }
0x205: {  	s8 =	simm.s32 $0x3A80;
	v3 =	vadd.s32 v1, v3  }
0x206: {  	[tilespmem:s8], [sflag:$0x1] =	stream.indirect_vreg.gather [hbm4b:s5+s3], $0x80, v4, vm0, $0xb8;
	[tilespmem:$0x1E280] =	vst v63  }
0x207: {  	s10 =	simm.s32 $0x4280  }
0x208: {  	[tilespmem:s10], [sflag:$0x1] =	stream.indirect_vreg.gather [hbm4b:s6+s3], $0x80, v4, vm0, $0xb8;
	[tilespmem:$0x1E280] =	vst v63  }
0x209: {  	s11 =	simm.s32 $0x4A80  }
0x20a: {  	[tilespmem:s11], [sflag:$0x1] =	stream.indirect_vreg.gather [hbm4b:s1+s3], $0x80, v3, vm0, $0xb8;
	[tilespmem:$0x1E280] =	vst v63  }
0x20b: {  	s8 =	simm.s32 $0x5280  }
0x20c: {  	[tilespmem:s8], [sflag:$0x1] =	stream.indirect_vreg.gather [hbm4b:s5+s3], $0x80, v3, vm0, $0xb8;
	[tilespmem:$0x1E280] =	vst v63  }
0x20d: {  	s10 =	simm.s32 $0x5A80  }
0x20e: {  	[tilespmem:s10], [sflag:$0x1] =	stream.indirect_vreg.gather [hbm4b:s6+s3], $0x80, v3, vm0, $0xb8;
	[tilespmem:$0x1E280] =	vst v63  }
0x20f: {  	v3 =	vld.msk [tilespmem:$0x160], $0xff;
	_ =	sdelay $0x4  }
0x210: {  	v46 =	vshrl.u32 v3, $0x3  }
0x211: {  	v4 =	vmul.u32 $0x30, v46  }
0x212: {  	v3 =	vand.u32 $0x7, v3  }
0x213: {  	v3 =	vor.u32 v3, v4  }
0x214: {  	v3 =	vperm.xlane v3, v0;
	_ =	sdelay $0x1  }
0x215: {  	v3 =	vadd.s32 v1, v3;
	_ =	sdelay $0x3  }
0x216: {  	s11 =	simm.s32 $0x6280  }
0x217: {  	[tilespmem:s11], [sflag:$0x1] =	stream.indirect_vreg.gather [hbm4b:s1+s3], $0x80, v3, vm0, $0xb8;
	[tilespmem:$0x1E280] =	vst v63  }
0x218: {  	s8 =	simm.s32 $0x6A80  }
0x219: {  	[tilespmem:s8], [sflag:$0x1] =	stream.indirect_vreg.gather [hbm4b:s5+s3], $0x80, v3, vm0, $0xb8;
	[tilespmem:$0x1E280] =	vst v63  }
0x21a: {  	s10 =	simm.s32 $0x7280  }
0x21b: {  	[tilespmem:s10], [sflag:$0x1] =	stream.indirect_vreg.gather [hbm4b:s6+s3], $0x80, v3, vm0, $0xb8;
	[tilespmem:$0x1E280] =	vst v63  }
0x21c: {  	_ =	swait.ge [sflag:s29], $0x7800  }
0x21d: {  	[sflag:s29] =	ssyncset.done $0x0  }
0x21e: {  	s11 =	rddreg [dreg:$0xa];
	[sflag:s29] =	ssyncadd.s32 $0xFFFF8800  }
0x21f: {  	[hbm4b:s11+s3] =	stream.linear.scatter [tilespmem:s9], [sflag:$0x7], $0x7800, $0x38;
	[tilespmem:$0x1E280] =	vst v63  }
0x220: {  	_ =	swait.ge [sflag:s30], $0x7800  }
0x221: {  	[sflag:s30] =	ssyncset.done $0x0  }
0x222: {  	[sflag:s30] =	ssyncadd.s32 $0xFFFF8800  }
0x223: {  	v3 =	vld [tilespmem:$0x168];
	_ =	sdelay $0x4  }
0x224: {  	v47 =	vshrl.u32 v3, $0x3  }
0x225: {  	v4 =	vmul.u32 $0x30, v47  }
0x226: {  	v3 =	vand.u32 $0x7, v3  }
0x227: {  	v3 =	vor.u32 v3, v4  }
0x228: {  	v4 =	vperm.xlane v3, v0;
	_ =	sdelay $0x1  }
0x229: {  	v4 =	vadd.s32 v1, v4;
	_ =	sdelay $0x3  }
0x22a: {  	v3 =	vperm.xlane v3, v2  }
0x22b: {  	[tilespmem:s14], [sflag:$0x2] =	stream.indirect_vreg.gather [hbm4b:s1+s3], $0x80, v4, vm0, $0xb8;
	[tilespmem:$0x1E280] =	vst v63  }
0x22c: {  	s8 =	simm.s32 $0x8280;
	v3 =	vadd.s32 v1, v3  }
0x22d: {  	[tilespmem:s8], [sflag:$0x2] =	stream.indirect_vreg.gather [hbm4b:s5+s3], $0x80, v4, vm0, $0xb8;
	[tilespmem:$0x1E280] =	vst v63  }
0x22e: {  	s10 =	simm.s32 $0x8A80  }
0x22f: {  	[tilespmem:s10], [sflag:$0x2] =	stream.indirect_vreg.gather [hbm4b:s6+s3], $0x80, v4, vm0, $0xb8;
	[tilespmem:$0x1E280] =	vst v63  }
0x230: {  	s11 =	simm.s32 $0x9280  }
0x231: {  	[tilespmem:s11], [sflag:$0x2] =	stream.indirect_vreg.gather [hbm4b:s1+s3], $0x80, v3, vm0, $0xb8;
	[tilespmem:$0x1E280] =	vst v63  }
0x232: {  	s8 =	simm.s32 $0x9A80  }
0x233: {  	[tilespmem:s8], [sflag:$0x2] =	stream.indirect_vreg.gather [hbm4b:s5+s3], $0x80, v3, vm0, $0xb8;
	[tilespmem:$0x1E280] =	vst v63  }
0x234: {  	s10 =	simm.s32 $0xA280  }
0x235: {  	[tilespmem:s10], [sflag:$0x2] =	stream.indirect_vreg.gather [hbm4b:s6+s3], $0x80, v3, vm0, $0xb8;
	[tilespmem:$0x1E280] =	vst v63  }
0x236: {  	v3 =	vld [tilespmem:$0x178];
	_ =	sdelay $0x4  }
0x237: {  	v48 =	vshrl.u32 v3, $0x3  }
0x238: {  	v4 =	vmul.u32 $0x30, v48  }
0x239: {  	v3 =	vand.u32 $0x7, v3  }
0x23a: {  	v3 =	vor.u32 v3, v4  }
0x23b: {  	v4 =	vperm.xlane v3, v0;
	_ =	sdelay $0x1  }
0x23c: {  	v4 =	vadd.s32 v1, v4;
	_ =	sdelay $0x3  }
0x23d: {  	s11 =	simm.s32 $0xAA80;
	v3 =	vperm.xlane v3, v2  }
0x23e: {  	[tilespmem:s11], [sflag:$0x2] =	stream.indirect_vreg.gather [hbm4b:s1+s3], $0x80, v4, vm0, $0xb8;
	[tilespmem:$0x1E280] =	vst v63  }
0x23f: {  	s8 =	simm.s32 $0xB280;
	v3 =	vadd.s32 v1, v3  }
0x240: {  	[tilespmem:s8], [sflag:$0x2] =	stream.indirect_vreg.gather [hbm4b:s5+s3], $0x80, v4, vm0, $0xb8;
	[tilespmem:$0x1E280] =	vst v63  }
0x241: {  	s10 =	simm.s32 $0xBA80  }
0x242: {  	[tilespmem:s10], [sflag:$0x2] =	stream.indirect_vreg.gather [hbm4b:s6+s3], $0x80, v4, vm0, $0xb8;
	[tilespmem:$0x1E280] =	vst v63  }
0x243: {  	s11 =	simm.s32 $0xC280  }
0x244: {  	[tilespmem:s11], [sflag:$0x2] =	stream.indirect_vreg.gather [hbm4b:s1+s3], $0x80, v3, vm0, $0xb8;
	[tilespmem:$0x1E280] =	vst v63  }
0x245: {  	s8 =	simm.s32 $0xCA80  }
0x246: {  	[tilespmem:s8], [sflag:$0x2] =	stream.indirect_vreg.gather [hbm4b:s5+s3], $0x80, v3, vm0, $0xb8;
	[tilespmem:$0x1E280] =	vst v63  }
0x247: {  	s10 =	simm.s32 $0xD280  }
0x248: {  	[tilespmem:s10], [sflag:$0x2] =	stream.indirect_vreg.gather [hbm4b:s6+s3], $0x80, v3, vm0, $0xb8;
	[tilespmem:$0x1E280] =	vst v63  }
0x249: {  	v3 =	vld.msk [tilespmem:$0x188], $0xff;
	_ =	sdelay $0x4  }
0x24a: {  	v49 =	vshrl.u32 v3, $0x3  }
0x24b: {  	v4 =	vmul.u32 $0x30, v49  }
0x24c: {  	v3 =	vand.u32 $0x7, v3  }
0x24d: {  	v3 =	vor.u32 v3, v4  }
0x24e: {  	v3 =	vperm.xlane v3, v0;
	_ =	sdelay $0x1  }
0x24f: {  	v3 =	vadd.s32 v1, v3;
	_ =	sdelay $0x3  }
0x250: {  	s11 =	simm.s32 $0xDA80  }
0x251: {  	[tilespmem:s11], [sflag:$0x2] =	stream.indirect_vreg.gather [hbm4b:s1+s3], $0x80, v3, vm0, $0xb8;
	[tilespmem:$0x1E280] =	vst v63  }
0x252: {  	s8 =	simm.s32 $0xE280  }
0x253: {  	[tilespmem:s8], [sflag:$0x2] =	stream.indirect_vreg.gather [hbm4b:s5+s3], $0x80, v3, vm0, $0xb8;
	[tilespmem:$0x1E280] =	vst v63  }
0x254: {  	s10 =	simm.s32 $0xEA80  }
0x255: {  	[tilespmem:s10], [sflag:$0x2] =	stream.indirect_vreg.gather [hbm4b:s6+s3], $0x80, v3, vm0, $0xb8;
	[tilespmem:$0x1E280] =	vst v63  }
0x256: {  	_ =	swait.ge [sflag:s31], $0x7800  }
0x257: {  	[sflag:s31] =	ssyncset.done $0x0  }
0x258: {  	s11 =	rddreg [dreg:$0xb];
	[sflag:s31] =	ssyncadd.s32 $0xFFFF8800  }
0x259: {  	[hbm4b:s11+s3] =	stream.linear.scatter [tilespmem:s15], [sflag:$0x8], $0x7800, $0x38;
	[tilespmem:$0x1E280] =	vst v63  }
0x25a: {  	_ =	swait.ge [sflag:s2], $0x7800  }
0x25b: {  	[sflag:s2] =	ssyncset.done $0x0  }
0x25c: {  	[sflag:s2] =	ssyncadd.s32 $0xFFFF8800  }
0x25d: {  	v3 =	vld [tilespmem:$0x190];
	_ =	sdelay $0x4  }
0x25e: {  	v50 =	vshrl.u32 v3, $0x3  }
0x25f: {  	v4 =	vmul.u32 $0x30, v50  }
0x260: {  	v3 =	vand.u32 $0x7, v3  }
0x261: {  	v3 =	vor.u32 v3, v4  }
0x262: {  	v4 =	vperm.xlane v3, v0;
	_ =	sdelay $0x1  }
0x263: {  	v4 =	vadd.s32 v1, v4;
	_ =	sdelay $0x3  }
0x264: {  	v3 =	vperm.xlane v3, v2  }
0x265: {  	[tilespmem:s9], [sflag:$0x3] =	stream.indirect_vreg.gather [hbm4b:s1+s3], $0x80, v4, vm0, $0xb8;
	[tilespmem:$0x1E280] =	vst v63  }
0x266: {  	s21 =	simm.s32 $0xFA80;
	v3 =	vadd.s32 v1, v3  }
0x267: {  	[tilespmem:s21], [sflag:$0x3] =	stream.indirect_vreg.gather [hbm4b:s5+s3], $0x80, v4, vm0, $0xb8;
	[tilespmem:$0x1E280] =	vst v63  }
0x268: {  	s22 =	simm.s32 $0x10280  }
0x269: {  	[tilespmem:s22], [sflag:$0x3] =	stream.indirect_vreg.gather [hbm4b:s6+s3], $0x80, v4, vm0, $0xb8;
	[tilespmem:$0x1E280] =	vst v63  }
0x26a: {  	s25 =	simm.s32 $0x10A80  }
0x26b: {  	[tilespmem:s25], [sflag:$0x3] =	stream.indirect_vreg.gather [hbm4b:s1+s3], $0x80, v3, vm0, $0xb8;
	[tilespmem:$0x1E280] =	vst v63  }
0x26c: {  	s8 =	simm.s32 $0x11280  }
0x26d: {  	[tilespmem:s8], [sflag:$0x3] =	stream.indirect_vreg.gather [hbm4b:s5+s3], $0x80, v3, vm0, $0xb8;
	[tilespmem:$0x1E280] =	vst v63  }
0x26e: {  	s10 =	simm.s32 $0x11A80  }
0x26f: {  	[tilespmem:s10], [sflag:$0x3] =	stream.indirect_vreg.gather [hbm4b:s6+s3], $0x80, v3, vm0, $0xb8;
	[tilespmem:$0x1E280] =	vst v63  }
0x270: {  	v3 =	vld [tilespmem:$0x1A0];
	_ =	sdelay $0x4  }
0x271: {  	v51 =	vshrl.u32 v3, $0x3  }
0x272: {  	v4 =	vmul.u32 $0x30, v51  }
0x273: {  	v3 =	vand.u32 $0x7, v3  }
0x274: {  	v3 =	vor.u32 v3, v4  }
0x275: {  	v4 =	vperm.xlane v3, v0;
	_ =	sdelay $0x1  }
0x276: {  	v4 =	vadd.s32 v1, v4;
	_ =	sdelay $0x3  }
0x277: {  	s11 =	simm.s32 $0x12280;
	v3 =	vperm.xlane v3, v2  }
0x278: {  	[tilespmem:s11], [sflag:$0x3] =	stream.indirect_vreg.gather [hbm4b:s1+s3], $0x80, v4, vm0, $0xb8;
	[tilespmem:$0x1E280] =	vst v63  }
0x279: {  	s8 =	simm.s32 $0x12A80;
	v3 =	vadd.s32 v1, v3  }
0x27a: {  	[tilespmem:s8], [sflag:$0x3] =	stream.indirect_vreg.gather [hbm4b:s5+s3], $0x80, v4, vm0, $0xb8;
	[tilespmem:$0x1E280] =	vst v63  }
0x27b: {  	s10 =	simm.s32 $0x13280  }
0x27c: {  	[tilespmem:s10], [sflag:$0x3] =	stream.indirect_vreg.gather [hbm4b:s6+s3], $0x80, v4, vm0, $0xb8;
	[tilespmem:$0x1E280] =	vst v63  }
0x27d: {  	s4 =	simm.s32 $0x13A80  }
0x27e: {  	[tilespmem:s4], [sflag:$0x3] =	stream.indirect_vreg.gather [hbm4b:s1+s3], $0x80, v3, vm0, $0xb8;
	[tilespmem:$0x1E280] =	vst v63  }
0x27f: {  	s4 =	simm.s32 $0x14280  }
0x280: {  	[tilespmem:s4], [sflag:$0x3] =	stream.indirect_vreg.gather [hbm4b:s5+s3], $0x80, v3, vm0, $0xb8;
	[tilespmem:$0x1E280] =	vst v63  }
0x281: {  	s4 =	simm.s32 $0x14A80  }
0x282: {  	[tilespmem:s4], [sflag:$0x3] =	stream.indirect_vreg.gather [hbm4b:s6+s3], $0x80, v3, vm0, $0xb8;
	[tilespmem:$0x1E280] =	vst v63  }
0x283: {  	v3 =	vld.msk [tilespmem:$0x1B0], $0xff;
	_ =	sdelay $0x4  }
0x284: {  	v52 =	vshrl.u32 v3, $0x3  }
0x285: {  	v4 =	vmul.u32 $0x30, v52  }
0x286: {  	v3 =	vand.u32 $0x7, v3  }
0x287: {  	v3 =	vor.u32 v3, v4  }
0x288: {  	v3 =	vperm.xlane v3, v0;
	_ =	sdelay $0x1  }
0x289: {  	v3 =	vadd.s32 v1, v3;
	_ =	sdelay $0x3  }
0x28a: {  	s4 =	simm.s32 $0x15280  }
0x28b: {  	[tilespmem:s4], [sflag:$0x3] =	stream.indirect_vreg.gather [hbm4b:s1+s3], $0x80, v3, vm0, $0xb8;
	[tilespmem:$0x1E280] =	vst v63  }
0x28c: {  	s4 =	simm.s32 $0x15A80  }
0x28d: {  	[tilespmem:s4], [sflag:$0x3] =	stream.indirect_vreg.gather [hbm4b:s5+s3], $0x80, v3, vm0, $0xb8;
	[tilespmem:$0x1E280] =	vst v63  }
0x28e: {  	s4 =	simm.s32 $0x16280  }
0x28f: {  	[tilespmem:s4], [sflag:$0x3] =	stream.indirect_vreg.gather [hbm4b:s6+s3], $0x80, v3, vm0, $0xb8;
	[tilespmem:$0x1E280] =	vst v63  }
0x290: {  	_ =	swait.ge [sflag:s23], $0x7800  }
0x291: {  	[sflag:s23] =	ssyncset.done $0x0  }
0x292: {  	s4 =	rddreg [dreg:$0xc];
	[sflag:s23] =	ssyncadd.s32 $0xFFFF8800  }
0x293: {  	[hbm4b:s4+s3] =	stream.linear.scatter [tilespmem:s24], [sflag:$0x5], $0x7800, $0x38;
	[tilespmem:$0x1E280] =	vst v63  }
0x294: {  	_ =	swait.ge [sflag:s0], $0x7800  }
0x295: {  	[sflag:s0] =	ssyncset.done $0x0  }
0x296: {  	[sflag:s0] =	ssyncadd.s32 $0xFFFF8800  }
0x297: {  	v3 =	vld [tilespmem:$0x1B8];
	_ =	sdelay $0x4  }
0x298: {  	v53 =	vshrl.u32 v3, $0x3  }
0x299: {  	v4 =	vmul.u32 $0x30, v53  }
0x29a: {  	v3 =	vand.u32 $0x7, v3  }
0x29b: {  	v3 =	vor.u32 v3, v4  }
0x29c: {  	v4 =	vperm.xlane v3, v0;
	_ =	sdelay $0x1  }
0x29d: {  	v4 =	vadd.s32 v1, v4;
	_ =	sdelay $0x3  }
0x29e: {  	v3 =	vperm.xlane v3, v2  }
0x29f: {  	[tilespmem:s15], [sflag:$0x4] =	stream.indirect_vreg.gather [hbm4b:s1+s3], $0x80, v4, vm0, $0xb8;
	[tilespmem:$0x1E280] =	vst v63  }
0x2a0: {  	s4 =	simm.s32 $0x17280;
	v3 =	vadd.s32 v1, v3  }
0x2a1: {  	[tilespmem:s4], [sflag:$0x4] =	stream.indirect_vreg.gather [hbm4b:s5+s3], $0x80, v4, vm0, $0xb8;
	[tilespmem:$0x1E280] =	vst v63  }
0x2a2: {  	s4 =	simm.s32 $0x17A80  }
0x2a3: {  	[tilespmem:s4], [sflag:$0x4] =	stream.indirect_vreg.gather [hbm4b:s6+s3], $0x80, v4, vm0, $0xb8;
	[tilespmem:$0x1E280] =	vst v63  }
0x2a4: {  	s4 =	simm.s32 $0x18280  }
0x2a5: {  	[tilespmem:s4], [sflag:$0x4] =	stream.indirect_vreg.gather [hbm4b:s1+s3], $0x80, v3, vm0, $0xb8;
	[tilespmem:$0x1E280] =	vst v63  }
0x2a6: {  	s12 =	simm.s32 $0x18A80  }
0x2a7: {  	[tilespmem:s12], [sflag:$0x4] =	stream.indirect_vreg.gather [hbm4b:s5+s3], $0x80, v3, vm0, $0xb8;
	[tilespmem:$0x1E280] =	vst v63  }
0x2a8: {  	s12 =	simm.s32 $0x19280  }
0x2a9: {  	[tilespmem:s12], [sflag:$0x4] =	stream.indirect_vreg.gather [hbm4b:s6+s3], $0x80, v3, vm0, $0xb8;
	[tilespmem:$0x1E280] =	vst v63  }
0x2aa: {  	v3 =	vld [tilespmem:$0x1C8];
	_ =	sdelay $0x4  }
0x2ab: {  	v54 =	vshrl.u32 v3, $0x3  }
0x2ac: {  	v4 =	vmul.u32 $0x30, v54  }
0x2ad: {  	v3 =	vand.u32 $0x7, v3  }
0x2ae: {  	v3 =	vor.u32 v3, v4  }
0x2af: {  	v4 =	vperm.xlane v3, v0;
	_ =	sdelay $0x1  }
0x2b0: {  	v4 =	vadd.s32 v1, v4;
	_ =	sdelay $0x3  }
0x2b1: {  	s12 =	simm.s32 $0x19A80;
	v3 =	vperm.xlane v3, v2  }
0x2b2: {  	[tilespmem:s12], [sflag:$0x4] =	stream.indirect_vreg.gather [hbm4b:s1+s3], $0x80, v4, vm0, $0xb8;
	[tilespmem:$0x1E280] =	vst v63  }
0x2b3: {  	s13 =	simm.s32 $0x1A280;
	v3 =	vadd.s32 v1, v3  }
0x2b4: {  	[tilespmem:s13], [sflag:$0x4] =	stream.indirect_vreg.gather [hbm4b:s5+s3], $0x80, v4, vm0, $0xb8;
	[tilespmem:$0x1E280] =	vst v63  }
0x2b5: {  	s16 =	simm.s32 $0x1AA80  }
0x2b6: {  	[tilespmem:s16], [sflag:$0x4] =	stream.indirect_vreg.gather [hbm4b:s6+s3], $0x80, v4, vm0, $0xb8;
	[tilespmem:$0x1E280] =	vst v63  }
0x2b7: {  	s17 =	simm.s32 $0x1B280  }
0x2b8: {  	[tilespmem:s17], [sflag:$0x4] =	stream.indirect_vreg.gather [hbm4b:s1+s3], $0x80, v3, vm0, $0xb8;
	[tilespmem:$0x1E280] =	vst v63  }
0x2b9: {  	s18 =	simm.s32 $0x1BA80  }
0x2ba: {  	[tilespmem:s18], [sflag:$0x4] =	stream.indirect_vreg.gather [hbm4b:s5+s3], $0x80, v3, vm0, $0xb8;
	[tilespmem:$0x1E280] =	vst v63  }
0x2bb: {  	s12 =	simm.s32 $0x1C280  }
0x2bc: {  	[tilespmem:s12], [sflag:$0x4] =	stream.indirect_vreg.gather [hbm4b:s6+s3], $0x80, v3, vm0, $0xb8;
	[tilespmem:$0x1E280] =	vst v63  }
0x2bd: {  	v3 =	vld.msk [tilespmem:$0x1D8], $0xff;
	_ =	sdelay $0x4  }
0x2be: {  	v55 =	vshrl.u32 v3, $0x3  }
0x2bf: {  	v4 =	vmul.u32 $0x30, v55  }
0x2c0: {  	v3 =	vand.u32 $0x7, v3  }
0x2c1: {  	v3 =	vor.u32 v3, v4  }
0x2c2: {  	v3 =	vperm.xlane v3, v0;
	_ =	sdelay $0x1  }
0x2c3: {  	v3 =	vadd.s32 v1, v3;
	_ =	sdelay $0x3  }
0x2c4: {  	s19 =	simm.s32 $0x1CA80  }
0x2c5: {  	[tilespmem:s19], [sflag:$0x4] =	stream.indirect_vreg.gather [hbm4b:s1+s3], $0x80, v3, vm0, $0xb8;
	[tilespmem:$0x1E280] =	vst v63  }
0x2c6: {  	s20 =	simm.s32 $0x1D280  }
0x2c7: {  	[tilespmem:s20], [sflag:$0x4] =	stream.indirect_vreg.gather [hbm4b:s5+s3], $0x80, v3, vm0, $0xb8;
	[tilespmem:$0x1E280] =	vst v63  }
0x2c8: {  	s13 =	simm.s32 $0x1DA80  }
0x2c9: {  	[tilespmem:s13], [sflag:$0x4] =	stream.indirect_vreg.gather [hbm4b:s6+s3], $0x80, v3, vm0, $0xb8;
	[tilespmem:$0x1E280] =	vst v63  }
0x2ca: {  	_ =	swait.ge [sflag:s26], $0x7800  }
0x2cb: {  	[sflag:s26] =	ssyncset.done $0x0  }
0x2cc: {  	s16 =	rddreg [dreg:$0xd];
	[sflag:s26] =	ssyncadd.s32 $0xFFFF8800  }
0x2cd: {  	[hbm4b:s16+s3] =	stream.linear.scatter [tilespmem:s14], [sflag:$0x6], $0x7800, $0x38;
	[tilespmem:$0x1E280] =	vst v63  }
0x2ce: {  	_ =	swait.ge [sflag:s28], $0x7800  }
0x2cf: {  	[sflag:s28] =	ssyncset.done $0x0  }
0x2d0: {  	[sflag:s28] =	ssyncadd.s32 $0xFFFF8800  }
0x2d1: {  	v3 =	vld [tilespmem:$0x1E0];
	_ =	sdelay $0x4  }
0x2d2: {  	v56 =	vshrl.u32 v3, $0x3  }
0x2d3: {  	v4 =	vmul.u32 $0x30, v56  }
0x2d4: {  	v3 =	vand.u32 $0x7, v3  }
0x2d5: {  	v3 =	vor.u32 v3, v4  }
0x2d6: {  	v4 =	vperm.xlane v3, v0;
	_ =	sdelay $0x1  }
0x2d7: {  	v4 =	vadd.s32 v1, v4;
	_ =	sdelay $0x3  }
0x2d8: {  	v3 =	vperm.xlane v3, v2  }
0x2d9: {  	[tilespmem:s24], [sflag:$0x1] =	stream.indirect_vreg.gather [hbm4b:s1+s3], $0x80, v4, vm0, $0xb8;
	[tilespmem:$0x1E280] =	vst v63  }
0x2da: {  	s17 =	simm.s32 $0xA80;
	v3 =	vadd.s32 v1, v3  }
0x2db: {  	[tilespmem:s17], [sflag:$0x1] =	stream.indirect_vreg.gather [hbm4b:s5+s3], $0x80, v4, vm0, $0xb8;
	[tilespmem:$0x1E280] =	vst v63  }
0x2dc: {  	s18 =	simm.s32 $0x1280  }
0x2dd: {  	[tilespmem:s18], [sflag:$0x1] =	stream.indirect_vreg.gather [hbm4b:s6+s3], $0x80, v4, vm0, $0xb8;
	[tilespmem:$0x1E280] =	vst v63  }
0x2de: {  	s19 =	simm.s32 $0x1A80  }
0x2df: {  	[tilespmem:s19], [sflag:$0x1] =	stream.indirect_vreg.gather [hbm4b:s1+s3], $0x80, v3, vm0, $0xb8;
	[tilespmem:$0x1E280] =	vst v63  }
0x2e0: {  	s20 =	simm.s32 $0x2280  }
0x2e1: {  	[tilespmem:s20], [sflag:$0x1] =	stream.indirect_vreg.gather [hbm4b:s5+s3], $0x80, v3, vm0, $0xb8;
	[tilespmem:$0x1E280] =	vst v63  }
0x2e2: {  	s12 =	simm.s32 $0x2A80  }
0x2e3: {  	[tilespmem:s12], [sflag:$0x1] =	stream.indirect_vreg.gather [hbm4b:s6+s3], $0x80, v3, vm0, $0xb8;
	[tilespmem:$0x1E280] =	vst v63  }
0x2e4: {  	v3 =	vld [tilespmem:$0x1F0];
	_ =	sdelay $0x4  }
0x2e5: {  	v57 =	vshrl.u32 v3, $0x3  }
0x2e6: {  	v4 =	vmul.u32 $0x30, v57  }
0x2e7: {  	v3 =	vand.u32 $0x7, v3  }
0x2e8: {  	v3 =	vor.u32 v3, v4  }
0x2e9: {  	v4 =	vperm.xlane v3, v0;
	_ =	sdelay $0x1  }
0x2ea: {  	v4 =	vadd.s32 v1, v4;
	_ =	sdelay $0x3  }
0x2eb: {  	s13 =	simm.s32 $0x3280;
	v3 =	vperm.xlane v3, v2  }
0x2ec: {  	[tilespmem:s13], [sflag:$0x1] =	stream.indirect_vreg.gather [hbm4b:s1+s3], $0x80, v4, vm0, $0xb8;
	[tilespmem:$0x1E280] =	vst v63  }
0x2ed: {  	s16 =	simm.s32 $0x3A80;
	v3 =	vadd.s32 v1, v3  }
0x2ee: {  	[tilespmem:s16], [sflag:$0x1] =	stream.indirect_vreg.gather [hbm4b:s5+s3], $0x80, v4, vm0, $0xb8;
	[tilespmem:$0x1E280] =	vst v63  }
0x2ef: {  	s17 =	simm.s32 $0x4280  }
0x2f0: {  	[tilespmem:s17], [sflag:$0x1] =	stream.indirect_vreg.gather [hbm4b:s6+s3], $0x80, v4, vm0, $0xb8;
	[tilespmem:$0x1E280] =	vst v63  }
0x2f1: {  	s18 =	simm.s32 $0x4A80  }
0x2f2: {  	[tilespmem:s18], [sflag:$0x1] =	stream.indirect_vreg.gather [hbm4b:s1+s3], $0x80, v3, vm0, $0xb8;
	[tilespmem:$0x1E280] =	vst v63  }
0x2f3: {  	s19 =	simm.s32 $0x5280  }
0x2f4: {  	[tilespmem:s19], [sflag:$0x1] =	stream.indirect_vreg.gather [hbm4b:s5+s3], $0x80, v3, vm0, $0xb8;
	[tilespmem:$0x1E280] =	vst v63  }
0x2f5: {  	s20 =	simm.s32 $0x5A80  }
0x2f6: {  	[tilespmem:s20], [sflag:$0x1] =	stream.indirect_vreg.gather [hbm4b:s6+s3], $0x80, v3, vm0, $0xb8;
	[tilespmem:$0x1E280] =	vst v63  }
0x2f7: {  	v3 =	vld.msk [tilespmem:$0x200], $0xff;
	_ =	sdelay $0x4  }
0x2f8: {  	v58 =	vshrl.u32 v3, $0x3  }
0x2f9: {  	v4 =	vmul.u32 $0x30, v58  }
0x2fa: {  	v3 =	vand.u32 $0x7, v3  }
0x2fb: {  	v3 =	vor.u32 v3, v4  }
0x2fc: {  	v3 =	vperm.xlane v3, v0;
	_ =	sdelay $0x1  }
0x2fd: {  	v3 =	vadd.s32 v1, v3;
	_ =	sdelay $0x3  }
0x2fe: {  	s12 =	simm.s32 $0x6280  }
0x2ff: {  	[tilespmem:s12], [sflag:$0x1] =	stream.indirect_vreg.gather [hbm4b:s1+s3], $0x80, v3, vm0, $0xb8;
	[tilespmem:$0x1E280] =	vst v63  }
0x300: {  	s13 =	simm.s32 $0x6A80  }
0x301: {  	[tilespmem:s13], [sflag:$0x1] =	stream.indirect_vreg.gather [hbm4b:s5+s3], $0x80, v3, vm0, $0xb8;
	[tilespmem:$0x1E280] =	vst v63  }
0x302: {  	s16 =	simm.s32 $0x7280  }
0x303: {  	[tilespmem:s16], [sflag:$0x1] =	stream.indirect_vreg.gather [hbm4b:s6+s3], $0x80, v3, vm0, $0xb8;
	[tilespmem:$0x1E280] =	vst v63  }
0x304: {  	_ =	swait.ge [sflag:s29], $0x7800  }
0x305: {  	[sflag:s29] =	ssyncset.done $0x0  }
0x306: {  	s17 =	rddreg [dreg:$0xe];
	[sflag:s29] =	ssyncadd.s32 $0xFFFF8800  }
0x307: {  	[hbm4b:s17+s3] =	stream.linear.scatter [tilespmem:s9], [sflag:$0x7], $0x7800, $0x38;
	[tilespmem:$0x1E280] =	vst v63  }
0x308: {  	_ =	swait.ge [sflag:s30], $0x7800  }
0x309: {  	[sflag:s30] =	ssyncset.done $0x0  }
0x30a: {  	[sflag:s30] =	ssyncadd.s32 $0xFFFF8800  }
0x30b: {  	v3 =	vld [tilespmem:$0x208];
	_ =	sdelay $0x4  }
0x30c: {  	v59 =	vshrl.u32 v3, $0x3  }
0x30d: {  	v4 =	vmul.u32 $0x30, v59  }
0x30e: {  	v3 =	vand.u32 $0x7, v3  }
0x30f: {  	v3 =	vor.u32 v3, v4  }
0x310: {  	v4 =	vperm.xlane v3, v0;
	_ =	sdelay $0x1  }
0x311: {  	v4 =	vadd.s32 v1, v4;
	_ =	sdelay $0x3  }
0x312: {  	v3 =	vperm.xlane v3, v2  }
0x313: {  	[tilespmem:s14], [sflag:$0x2] =	stream.indirect_vreg.gather [hbm4b:s1+s3], $0x80, v4, vm0, $0xb8;
	[tilespmem:$0x1E280] =	vst v63  }
0x314: {  	s18 =	simm.s32 $0x8280;
	v3 =	vadd.s32 v1, v3  }
0x315: {  	[tilespmem:s18], [sflag:$0x2] =	stream.indirect_vreg.gather [hbm4b:s5+s3], $0x80, v4, vm0, $0xb8;
	[tilespmem:$0x1E280] =	vst v63  }
0x316: {  	s19 =	simm.s32 $0x8A80  }
0x317: {  	[tilespmem:s19], [sflag:$0x2] =	stream.indirect_vreg.gather [hbm4b:s6+s3], $0x80, v4, vm0, $0xb8;
	[tilespmem:$0x1E280] =	vst v63  }
0x318: {  	s20 =	simm.s32 $0x9280  }
0x319: {  	[tilespmem:s20], [sflag:$0x2] =	stream.indirect_vreg.gather [hbm4b:s1+s3], $0x80, v3, vm0, $0xb8;
	[tilespmem:$0x1E280] =	vst v63  }
0x31a: {  	s12 =	simm.s32 $0x9A80  }
0x31b: {  	[tilespmem:s12], [sflag:$0x2] =	stream.indirect_vreg.gather [hbm4b:s5+s3], $0x80, v3, vm0, $0xb8;
	[tilespmem:$0x1E280] =	vst v63  }
0x31c: {  	s13 =	simm.s32 $0xA280  }
0x31d: {  	[tilespmem:s13], [sflag:$0x2] =	stream.indirect_vreg.gather [hbm4b:s6+s3], $0x80, v3, vm0, $0xb8;
	[tilespmem:$0x1E280] =	vst v63  }
0x31e: {  	v3 =	vld [tilespmem:$0x218];
	_ =	sdelay $0x4  }
0x31f: {  	v60 =	vshrl.u32 v3, $0x3  }
0x320: {  	v4 =	vmul.u32 $0x30, v60  }
0x321: {  	v3 =	vand.u32 $0x7, v3  }
0x322: {  	v3 =	vor.u32 v3, v4  }
0x323: {  	v4 =	vperm.xlane v3, v0;
	_ =	sdelay $0x1  }
0x324: {  	v4 =	vadd.s32 v1, v4;
	_ =	sdelay $0x3  }
0x325: {  	s16 =	simm.s32 $0xAA80;
	v3 =	vperm.xlane v3, v2  }
0x326: {  	[tilespmem:s16], [sflag:$0x2] =	stream.indirect_vreg.gather [hbm4b:s1+s3], $0x80, v4, vm0, $0xb8;
	[tilespmem:$0x1E280] =	vst v63  }
0x327: {  	s17 =	simm.s32 $0xB280;
	v3 =	vadd.s32 v1, v3  }
0x328: {  	[tilespmem:s17], [sflag:$0x2] =	stream.indirect_vreg.gather [hbm4b:s5+s3], $0x80, v4, vm0, $0xb8;
	[tilespmem:$0x1E280] =	vst v63  }
0x329: {  	s18 =	simm.s32 $0xBA80  }
0x32a: {  	[tilespmem:s18], [sflag:$0x2] =	stream.indirect_vreg.gather [hbm4b:s6+s3], $0x80, v4, vm0, $0xb8;
	[tilespmem:$0x1E280] =	vst v63  }
0x32b: {  	s19 =	simm.s32 $0xC280  }
0x32c: {  	[tilespmem:s19], [sflag:$0x2] =	stream.indirect_vreg.gather [hbm4b:s1+s3], $0x80, v3, vm0, $0xb8;
	[tilespmem:$0x1E280] =	vst v63  }
0x32d: {  	s20 =	simm.s32 $0xCA80  }
0x32e: {  	[tilespmem:s20], [sflag:$0x2] =	stream.indirect_vreg.gather [hbm4b:s5+s3], $0x80, v3, vm0, $0xb8;
	[tilespmem:$0x1E280] =	vst v63  }
0x32f: {  	s12 =	simm.s32 $0xD280  }
0x330: {  	[tilespmem:s12], [sflag:$0x2] =	stream.indirect_vreg.gather [hbm4b:s6+s3], $0x80, v3, vm0, $0xb8;
	[tilespmem:$0x1E280] =	vst v63  }
0x331: {  	v3 =	vld.msk [tilespmem:$0x228], $0xff;
	_ =	sdelay $0x4  }
0x332: {  	v61 =	vshrl.u32 v3, $0x3  }
0x333: {  	v4 =	vmul.u32 $0x30, v61  }
0x334: {  	v3 =	vand.u32 $0x7, v3  }
0x335: {  	v3 =	vor.u32 v3, v4  }
0x336: {  	v3 =	vperm.xlane v3, v0;
	_ =	sdelay $0x1  }
0x337: {  	v3 =	vadd.s32 v1, v3;
	_ =	sdelay $0x3  }
0x338: {  	s13 =	simm.s32 $0xDA80  }
0x339: {  	[tilespmem:s13], [sflag:$0x2] =	stream.indirect_vreg.gather [hbm4b:s1+s3], $0x80, v3, vm0, $0xb8;
	[tilespmem:$0x1E280] =	vst v63  }
0x33a: {  	s16 =	simm.s32 $0xE280  }
0x33b: {  	[tilespmem:s16], [sflag:$0x2] =	stream.indirect_vreg.gather [hbm4b:s5+s3], $0x80, v3, vm0, $0xb8;
	[tilespmem:$0x1E280] =	vst v63  }
0x33c: {  	s17 =	simm.s32 $0xEA80  }
0x33d: {  	[tilespmem:s17], [sflag:$0x2] =	stream.indirect_vreg.gather [hbm4b:s6+s3], $0x80, v3, vm0, $0xb8;
	[tilespmem:$0x1E280] =	vst v63  }
0x33e: {  	_ =	swait.ge [sflag:s31], $0x7800  }
0x33f: {  	[sflag:s31] =	ssyncset.done $0x0  }
0x340: {  	s18 =	rddreg [dreg:$0xf];
	[sflag:s31] =	ssyncadd.s32 $0xFFFF8800  }
0x341: {  	[hbm4b:s18+s3] =	stream.linear.scatter [tilespmem:s15], [sflag:$0x8], $0x7800, $0x38;
	[tilespmem:$0x1E280] =	vst v63  }
0x342: {  	_ =	swait.ge [sflag:s2], $0x7800  }
0x343: {  	[sflag:s2] =	ssyncset.done $0x0  }
0x344: {  	[sflag:s2] =	ssyncadd.s32 $0xFFFF8800  }
0x345: {  	v3 =	vld [tilespmem:$0x230];
	_ =	sdelay $0x4  }
0x346: {  	v62 =	vshrl.u32 v3, $0x3  }
0x347: {  	v4 =	vmul.u32 $0x30, v62  }
0x348: {  	v3 =	vand.u32 $0x7, v3  }
0x349: {  	v3 =	vor.u32 v3, v4  }
0x34a: {  	v4 =	vperm.xlane v3, v0;
	_ =	sdelay $0x1  }
0x34b: {  	v4 =	vadd.s32 v1, v4;
	_ =	sdelay $0x3  }
0x34c: {  	v3 =	vperm.xlane v3, v2  }
0x34d: {  	[tilespmem:s9], [sflag:$0x3] =	stream.indirect_vreg.gather [hbm4b:s1+s3], $0x80, v4, vm0, $0xb8;
	[tilespmem:$0x1E280] =	vst v63  }
0x34e: {  	s21 =	simm.s32 $0xFA80;
	v3 =	vadd.s32 v1, v3  }
0x34f: {  	[tilespmem:s21], [sflag:$0x3] =	stream.indirect_vreg.gather [hbm4b:s5+s3], $0x80, v4, vm0, $0xb8;
	[tilespmem:$0x1E280] =	vst v63  }
0x350: {  	s22 =	simm.s32 $0x10280  }
0x351: {  	[tilespmem:s22], [sflag:$0x3] =	stream.indirect_vreg.gather [hbm4b:s6+s3], $0x80, v4, vm0, $0xb8;
	[tilespmem:$0x1E280] =	vst v63  }
0x352: {  	s25 =	simm.s32 $0x10A80  }
0x353: {  	[tilespmem:s25], [sflag:$0x3] =	stream.indirect_vreg.gather [hbm4b:s1+s3], $0x80, v3, vm0, $0xb8;
	[tilespmem:$0x1E280] =	vst v63  }
0x354: {  	s19 =	simm.s32 $0x11280  }
0x355: {  	[tilespmem:s19], [sflag:$0x3] =	stream.indirect_vreg.gather [hbm4b:s5+s3], $0x80, v3, vm0, $0xb8;
	[tilespmem:$0x1E280] =	vst v63  }
0x356: {  	s20 =	simm.s32 $0x11A80  }
0x357: {  	[tilespmem:s20], [sflag:$0x3] =	stream.indirect_vreg.gather [hbm4b:s6+s3], $0x80, v3, vm0, $0xb8;
	[tilespmem:$0x1E280] =	vst v63  }
0x358: {  	v3 =	vld.msk [tilespmem:$0x240], $0xff;
	_ =	sdelay $0x4  }
0x359: {  	v63 =	vshrl.u32 v3, $0x3  }
0x35a: {  	v4 =	vmul.u32 $0x30, v63  }
0x35b: {  	v3 =	vand.u32 $0x7, v3  }
0x35c: {  	v3 =	vor.u32 v3, v4  }
0x35d: {  	v3 =	vperm.xlane v3, v0;
	_ =	sdelay $0x1  }
0x35e: {  	v3 =	vadd.s32 v1, v3;
	_ =	sdelay $0x3  }
0x35f: {  	s11 =	simm.s32 $0x12280  }
0x360: {  	[tilespmem:s11], [sflag:$0x3] =	stream.indirect_vreg.gather [hbm4b:s1+s3], $0x80, v3, vm0, $0xb8;
	[tilespmem:$0x1E280] =	vst v63  }
0x361: {  	s8 =	simm.s32 $0x12A80  }
0x362: {  	[tilespmem:s8], [sflag:$0x3] =	stream.indirect_vreg.gather [hbm4b:s5+s3], $0x80, v3, vm0, $0xb8;
	[tilespmem:$0x1E280] =	vst v63  }
0x363: {  	s10 =	simm.s32 $0x13280  }
0x364: {  	[tilespmem:s10], [sflag:$0x3] =	stream.indirect_vreg.gather [hbm4b:s6+s3], $0x80, v3, vm0, $0xb8;
	[tilespmem:$0x1E280] =	vst v63  }
0x365: {  	_ =	swait.ge [sflag:s23], $0x7800  }
0x366: {  	[sflag:s23] =	ssyncset.done $0x0  }
0x367: {  	s21 =	rddreg [dreg:$0x10];
	[sflag:s23] =	ssyncadd.s32 $0xFFFF8800  }
0x368: {  	[hbm4b:s21+s3] =	stream.linear.scatter [tilespmem:s24], [sflag:$0x5], $0x7800, $0x38;
	[tilespmem:$0x1E280] =	vst v63  }
0x369: {  	_ =	swait.ge [sflag:s26], $0x7800  }
0x36a: {  	[sflag:s26] =	ssyncset.done $0x0  }
0x36b: {  	s22 =	rddreg [dreg:$0x11];
	[sflag:s26] =	ssyncadd.s32 $0xFFFF8800  }
0x36c: {  	[hbm4b:s22+s3] =	stream.linear.scatter [tilespmem:s14], [sflag:$0x6], $0x7800, $0x38;
	[tilespmem:$0x1E280] =	vst v63  }
0x36d: {  	_ =	swait.ge [sflag:s29], $0x4800  }
0x36e: {  	[sflag:s29] =	ssyncset.done $0x0  }
0x36f: {  	s25 =	rddreg [dreg:$0x12];
	[sflag:s29] =	ssyncadd.s32 $0xFFFFB800  }
0x370: {  	[hbm4b:s25+s3] =	stream.linear.scatter [tilespmem:s9], [sflag:$0x7], $0x4800, $0x38;
	[tilespmem:$0x1E280] =	vst v63  }
0x371: {  	_ =	swait.ge [sflag:s28], $0x7800  }
0x372: {  	[sflag:s28] =	ssyncset.done $0x0  }
0x373: {  	[sflag:s28] =	ssyncadd.s32 $0xFFFF8800  }
0x374: {  	_ =	swait.ge [sflag:s30], $0x7800  }
0x375: {  	[sflag:s30] =	ssyncset.done $0x0  }
0x376: {  	[sflag:s30] =	ssyncadd.s32 $0xFFFF8800  }
0x377: {  	p0 =	sne.s32 s7, $0x1;
	_ =	swait.ge [sflag:s2], $0x4800  }
.Ltmp0:
0x378: {  	[sflag:s2] =	ssyncset.done $0x0;
	(pc) =	sbr.rel @p0 .LBB2_1-.Ltmp0, $4  }
0x379: {  	[sflag:s2] =	ssyncadd.s32 $0xFFFFB800  }
0x37a: {  	_ =	swait.ge [sflag:s0], $0x7800  }
0x37b: {  	[sflag:s0] =	ssyncset.done $0x0  }
0x37c: {  	s7 =	sadd.s32 $0xFFFFFFFF, s7;
	[sflag:s0] =	ssyncadd.s32 $0xFFFF8800  }
0x37d: {  	_ =	sfence.sel $0x180000  }
0x37e: {  	[bflag:$0x0] =	sbarrier.arrive $0xFFFF  }
0x37f: {  	_ =	strace $0x90000047  }
0x380: {  	s0 =	stileid.u32;
	[bflag:$0x2] =	sbarrier.arrive $0xFFFF  }
0x381: {  	p0 =	sne.s32 s0, $0x0;
	s0 =	rddreg [dreg:$0x3]  }
0x382: {  	s0 =	sadd.s32 @!p0 $0x100000, s0  }
0x383: {  	[sflag:s0] =	ssyncadd.tile.s32 @!p0 $0x1;
	_ =	shalt  }
.Lfunc_end2:
_tile_overlayer_lowered:
.L_overlay_start_2:
0x384: {  	(tag) =	ssettag $0x2  }
0x385: {  	s0 =	rddreg [dreg:$0x0];
	s2 =	stileid.u32  }
0x386: {  	s1 =	rddreg [dreg:$0x1];
	p0 =	sne.s32 s2, $0x0  }
0x387: {  	s3 =	rddreg [dreg:$0x2];
	[bflag:$0x3] =	sbarrier.arrive $0xFFFF;
	s2 =	simm.s32 @!p0 $0x1C09  }
0x388: {  	[timem:s3], [sflag:s2] =	dma.local @!p0 [hbm:s0], s1  }
0x389: {  	s0 =	simm.s32 @!p0 $0x9  }
0x38a: {  	_ =	swait.ge @!p0 [sflag:s0], s1  }
0x38b: {  	s1 =	ssub.s32 @!p0 $0x0, s1;
	[sflag:s0] =	ssyncset.done @!p0 $0x0  }
0x38c: {  	[sflag:s0] =	ssyncadd.s32 @!p0 s1  }
0x38d: {  	[bflag:$0x3] =	sbarrier.arrive $0xFFFF  }
0x38e: {  	_ =	shalt  }

</sc_bundles>
